<compile_context>
chip_gen: v7x
topology: tpu7x:2x2x1
jax: 0.10.2.dev20260603
libtpu: 0.0.44.dev20260713+nightly
codegen_flags: <defaults>
</compile_context>

<pallas_src>
import functools

import jax
import jax.numpy as jnp
from jax import lax
from jax.experimental import pallas as pl
from jax.experimental.pallas import tpu as pltpu
from jax.experimental.pallas import tpu_sc as plsc


def _make_sc_kernel(B, DZ, DS, V, b_per_w, NC):
    mesh = plsc.VectorSubcoreMesh(core_axis_name="c", subcore_axis_name="s")
    n_groups = b_per_w // 16
    c_per_w = b_per_w // 128
    ot_words = DZ * b_per_w

    @functools.partial(
        pl.kernel,
        mesh=mesh,
        out_type=(
            jax.ShapeDtypeStruct((B, DZ + DS), jnp.float32),
            jax.ShapeDtypeStruct((B * DZ,), jnp.float32),
            jax.ShapeDtypeStruct((B * DS,), jnp.float32),
        ),
        scratch_types=[
            pltpu.VMEM((b_per_w,), jnp.int32),
            pltpu.VMEM((b_per_w,), jnp.int32),
            pltpu.VMEM((V, DZ + 1), jnp.float32),
            pltpu.VMEM((V, DS + 1), jnp.float32),
            pltpu.VMEM((b_per_w, DZ), jnp.float32),
            pltpu.VMEM((b_per_w, DS), jnp.float32),
            pltpu.VMEM((ot_words // 2,), jnp.float32),
            pltpu.VMEM((ot_words // 2,), jnp.float32),
            pltpu.SemaphoreType.DMA,
            pltpu.SemaphoreType.DMA,
            pltpu.SemaphoreType.DMA,
            pltpu.SemaphoreType.DMA,
            pltpu.SemaphoreType.DMA,
        ],
        compiler_params=pltpu.CompilerParams(
            use_tc_tiling_on_sc=False, needs_layout_passes=False,
            disable_bounds_checks=True),
    )
    def sc_kernel(zi_hbm, li_hbm, zt_hbm, st_hbm,
                  tl_hbm, zo_hbm, so_hbm,
                  zi_v, li_v, zt_v, st_v, z_v, s_v, ot_a, ot_b,
                  sem_i, sem_t, sem_z, sem_s, sem_o):
        wid = lax.axis_index("s") * NC + lax.axis_index("c")
        base = wid * b_per_w
        ci1 = pltpu.async_copy(zi_hbm.at[pl.ds(base, b_per_w)], zi_v, sem_i)
        ci2 = pltpu.async_copy(li_hbm.at[pl.ds(base, b_per_w)], li_v, sem_i)
        ct1 = pltpu.async_copy(zt_hbm, zt_v.at[:, pl.ds(0, DZ)], sem_t)
        ct2 = pltpu.async_copy(st_hbm, st_v.at[:, pl.ds(0, DS)], sem_t)
        ci1.wait()
        cz = pltpu.async_copy(zt_hbm.at[zi_v], z_v, sem_z)
        ci2.wait()
        cs = pltpu.async_copy(st_hbm.at[li_v], s_v, sem_s)

        one = jnp.full((16,), 1, jnp.int32)

        def assemble(idx_v, tab_v, buf, r0, nr):
            d0 = jnp.full((16,), r0 * 8, jnp.int32)

            def g_body(g, _):
                c = g // 8
                cig = g - c * 8
                goff = c * 1024 + cig * 16
                idx16 = idx_v[pl.ds(g * 16, 16)]
                dsplat = d0
                for rp in range(nr):
                    for rib in range(0, 8, 8):
                        vals = []
                        for k in range(8):
                            if rp * 8 + rib + k > 0:
                                dsplat = dsplat + one
                            vals.append(
                                plsc.load_gather(tab_v, [idx16, dsplat]))
                        for k in range(8):
                            ri = rib + k
                            buf[pl.ds(goff + rp * (c_per_w * 1024)
                                      + ri * 128, 16)] = vals[k]
                return _
            lax.fori_loop(0, n_groups, g_body, 0)

        rchunk = c_per_w * 1024
        rstride = (B // 128) * 1024

        def dump(buf, dst_hbm, r0, nr):
            cps = []
            for rp in range(nr):
                cps.append(pltpu.async_copy(
                    buf.at[pl.ds(rp * rchunk, rchunk)],
                    dst_hbm.at[pl.ds((r0 + rp) * rstride + wid * rchunk,
                                     rchunk)],
                    sem_o))
            return cps

        nrz = DZ // 16
        nrs = DS // 16
        ct1.wait()
        assemble(zi_v, zt_v, ot_a, 0, nrz)
        oa = dump(ot_a, zo_hbm, 0, nrz)
        assemble(zi_v, zt_v, ot_b, nrz, nrz)
        ob = dump(ot_b, zo_hbm, nrz, nrz)
        cz.wait()
        w1 = pltpu.async_copy(
            z_v, tl_hbm.at[pl.ds(base, b_per_w), pl.ds(0, DZ)], sem_z)
        ct2.wait()
        for cp in oa:
            cp.wait()
        assemble(li_v, st_v, ot_a, 0, nrs)
        oc = dump(ot_a, so_hbm, 0, nrs)
        for cp in ob:
            cp.wait()
        assemble(li_v, st_v, ot_b, nrs, nrs)
        od = dump(ot_b, so_hbm, nrs, nrs)
        cs.wait()
        w2 = pltpu.async_copy(
            s_v, tl_hbm.at[pl.ds(base, b_per_w), pl.ds(DZ, DS)], sem_s)
        w1.wait()
        w2.wait()
        for cp in oc + od:
            cp.wait()

    return sc_kernel


def kernel(sample_indices, batch_size, labels, z_table, s_tissue_table):
    B = sample_indices.shape[0]
    V, DZ = z_table.shape
    DS = s_tissue_table.shape[1]
    info = plsc.get_sparse_core_info()
    NC, NS = info.num_cores, info.num_subcores
    NW = NC * NS
    b_per_w = B // NW

    zi = sample_indices.astype(jnp.int32)
    li = labels[:, 0].astype(jnp.int32)

    sc_kernel = _make_sc_kernel(B, DZ, DS, V, b_per_w, NC)
    total_latent, zo, so = sc_kernel(zi, li, z_table, s_tissue_table)
    z = (zo.reshape(DZ // 8, B // 128, 8, 128)
         .transpose(1, 3, 0, 2).reshape(B, DZ))
    s = (so.reshape(DS // 8, B // 128, 8, 128)
         .transpose(1, 3, 0, 2).reshape(B, DS))
    return (total_latent, z, s)

# --- scband reference (transcript-rebuilt; emitter-appended) ---
"""Pipeline reference for scband-lord-encoder-3891240370714 (READ-ONLY COPY).

The authoritative reference and input builder live on the scoring server;
editing this copy changes nothing except your own understanding.
"""

import jax, jax.numpy as jnp
import numpy as np

B = 16384
N_CELLS = 100      # rows in init labels -> z_encoder num_embeddings
VOCAB_ATTR = 100   # unique values of covariate 0 -> s_encoder['tissue'] num_embeddings
DIM_Z = 64         # embedding_dim[-1]
DIM_ATTR = 64      # embedding_dim[0]


def setup_inputs(seed: int = 0) -> dict:
    key = jax.random.key(seed)
    k1, k2, k3, k4 = jax.random.split(key, 4)
    return {
        "sample_indices": jax.random.randint(k1, (B,), 0, N_CELLS),
        "batch_size": B,
        "labels": jax.random.randint(k2, (B, 1), 0, VOCAB_ATTR),
        "z_table": jax.random.normal(k3, (N_CELLS, DIM_Z), dtype=jnp.float32),
        "s_tissue_table": jax.random.normal(k4, (VOCAB_ATTR, DIM_ATTR), dtype=jnp.float32),
    }


def reference(sample_indices, batch_size, labels, z_table, s_tissue_table):
    # eval-mode LordEncoder.predict: noise (sigma) branch is training-only, so skipped
    # basal embedding: z = z_encoder(sample_indices)
    z = jnp.take(z_table, sample_indices, axis=0)
    # categorical attribute embedding: s = s_encoder['tissue'](labels[:, 0])
    s = jnp.take(s_tissue_table, labels[:, 0], axis=0).reshape(labels.shape[0], DIM_ATTR)
    s = s + jnp.zeros((), s.dtype) * batch_size
    # total_latent = concat([z, s_tissue], dim=-1)
    total_latent = jnp.concatenate([z, s], axis=-1)
    return (total_latent, z, s)

if __name__ == "__main__":
    import jax
    _d = setup_inputs()
    print(jax.jit(kernel)(*tuple(_d.values())))

</pallas_src>

<mosaic_0001>
#map = affine_map<(d0, d1) -> (0)>
#map1 = affine_map<(d0, d1) -> (0, 0)>
module attributes {stable_mosaic.version = 14 : i64} {
  func.func @sc_kernel(%arg0: i32, %arg1: i32, %arg2: memref<16384xi32, #tpu.memory_space<hbm>>, %arg3: memref<16384xi32, #tpu.memory_space<hbm>>, %arg4: memref<100x64xf32, #tpu.memory_space<hbm>>, %arg5: memref<100x64xf32, #tpu.memory_space<hbm>>, %arg6: memref<16384x128xf32, #tpu.memory_space<hbm>>, %arg7: memref<1048576xf32, #tpu.memory_space<hbm>>, %arg8: memref<1048576xf32, #tpu.memory_space<hbm>>, %arg9: memref<512xi32, #tpu.memory_space<vmem>>, %arg10: memref<512xi32, #tpu.memory_space<vmem>>, %arg11: memref<100x65xf32, #tpu.memory_space<vmem>>, %arg12: memref<100x65xf32, #tpu.memory_space<vmem>>, %arg13: memref<512x64xf32, #tpu.memory_space<vmem>>, %arg14: memref<512x64xf32, #tpu.memory_space<vmem>>, %arg15: memref<16384xf32, #tpu.memory_space<vmem>>, %arg16: memref<16384xf32, #tpu.memory_space<vmem>>, %arg17: memref<!tpu.dma_semaphore, #tpu.memory_space<semaphore_mem>>, %arg18: memref<!tpu.dma_semaphore, #tpu.memory_space<semaphore_mem>>, %arg19: memref<!tpu.dma_semaphore, #tpu.memory_space<semaphore_mem>>, %arg20: memref<!tpu.dma_semaphore, #tpu.memory_space<semaphore_mem>>, %arg21: memref<!tpu.dma_semaphore, #tpu.memory_space<semaphore_mem>>) attributes {dimension_semantics = [#tpu.dimension_semantics<core_parallel>, #tpu.dimension_semantics<subcore_parallel>], iteration_bounds = array<i64: 2, 16>, scalar_prefetch = 0 : i64, scratch_operands = 13 : i64, tpu.core_type = #tpu.core_type<sc_vector_subcore>, window_params = [{transform_indices = #map}, {transform_indices = #map}, {transform_indices = #map1}, {transform_indices = #map1}, {transform_indices = #map1}, {transform_indices = #map}, {transform_indices = #map}]} {
    %mul3A = arith.constant 2 : i32
    %mul3A_0 = arith.muli %arg1, %mul3A : i32
    %add3A = arith.addi %mul3A_0, %arg0 : i32
    %mul3A_1 = arith.constant 512 : i32
    %mul3A_2 = arith.muli %add3A, %mul3A_1 : i32
    %dma_start3A = tpu.memref_slice %arg2[%mul3A_2] : memref<16384xi32, #tpu.memory_space<hbm>> -> memref<512xi32, #tpu.memory_space<hbm>>
    %dma_start3A_3 = tpu.memref_slice %arg2[%mul3A_2] : memref<16384xi32, #tpu.memory_space<hbm>> -> memref<512xi32, #tpu.memory_space<hbm>>
    tpu.enqueue_dma source(%dma_start3A_3 : memref<512xi32, #tpu.memory_space<hbm>>) target(%arg9 : memref<512xi32, #tpu.memory_space<vmem>>) target_semaphore(%arg17 : memref<!tpu.dma_semaphore, #tpu.memory_space<semaphore_mem>>)
    %dma_start3A_4 = tpu.memref_slice %arg3[%mul3A_2] : memref<16384xi32, #tpu.memory_space<hbm>> -> memref<512xi32, #tpu.memory_space<hbm>>
    %dma_start3A_5 = tpu.memref_slice %arg3[%mul3A_2] : memref<16384xi32, #tpu.memory_space<hbm>> -> memref<512xi32, #tpu.memory_space<hbm>>
    tpu.enqueue_dma source(%dma_start3A_5 : memref<512xi32, #tpu.memory_space<hbm>>) target(%arg10 : memref<512xi32, #tpu.memory_space<vmem>>) target_semaphore(%arg17 : memref<!tpu.dma_semaphore, #tpu.memory_space<semaphore_mem>>)
    %dma_start3A_6 = arith.constant 0 : i32
    %dma_start3A_7 = arith.constant 0 : i32
    %dma_start3A_8 = tpu.memref_slice %arg11[%dma_start3A_6, %dma_start3A_7] : memref<100x65xf32, #tpu.memory_space<vmem>> -> memref<100x64xf32, #tpu.memory_space<vmem>>
    %dma_start3A_9 = arith.constant 0 : i32
    %dma_start3A_10 = arith.constant 0 : i32
    %dma_start3A_11 = tpu.memref_slice %arg11[%dma_start3A_9, %dma_start3A_10] : memref<100x65xf32, #tpu.memory_space<vmem>> -> memref<100x64xf32, #tpu.memory_space<vmem>>
    tpu.enqueue_dma source(%arg4 : memref<100x64xf32, #tpu.memory_space<hbm>>) target(%dma_start3A_11 : memref<100x64xf32, #tpu.memory_space<vmem>>) target_semaphore(%arg18 : memref<!tpu.dma_semaphore, #tpu.memory_space<semaphore_mem>>)
    %dma_start3A_12 = arith.constant 0 : i32
    %dma_start3A_13 = arith.constant 0 : i32
    %dma_start3A_14 = tpu.memref_slice %arg12[%dma_start3A_12, %dma_start3A_13] : memref<100x65xf32, #tpu.memory_space<vmem>> -> memref<100x64xf32, #tpu.memory_space<vmem>>
    %dma_start3A_15 = arith.constant 0 : i32
    %dma_start3A_16 = arith.constant 0 : i32
    %dma_start3A_17 = tpu.memref_slice %arg12[%dma_start3A_15, %dma_start3A_16] : memref<100x65xf32, #tpu.memory_space<vmem>> -> memref<100x64xf32, #tpu.memory_space<vmem>>
    tpu.enqueue_dma source(%arg5 : memref<100x64xf32, #tpu.memory_space<hbm>>) target(%dma_start3A_17 : memref<100x64xf32, #tpu.memory_space<vmem>>) target_semaphore(%arg18 : memref<!tpu.dma_semaphore, #tpu.memory_space<semaphore_mem>>)
    %dma_wait3A = tpu.memref_slice %arg2[%mul3A_2] : memref<16384xi32, #tpu.memory_space<hbm>> -> memref<512xi32, #tpu.memory_space<hbm>>
    %dma_wait3A_18 = tpu.memref_slice %arg2[%mul3A_2] : memref<16384xi32, #tpu.memory_space<hbm>> -> memref<512xi32, #tpu.memory_space<hbm>>
    tpu.wait_dma2 semaphore(%arg17 : memref<!tpu.dma_semaphore, #tpu.memory_space<semaphore_mem>>) src(%dma_wait3A_18 : memref<512xi32, #tpu.memory_space<hbm>>) dst(%arg9 : memref<512xi32, #tpu.memory_space<vmem>>)
    %dma_start3A_19 = arith.constant 0 : i32
    %dma_start3A_20 = arith.constant 0 : i32
    %dma_start3A_21 = tpu.memref_slice %arg4[%dma_start3A_19, %dma_start3A_20] : memref<100x64xf32, #tpu.memory_space<hbm>> -> memref<100x64xf32, #tpu.memory_space<hbm>>
    tpu.enqueue_indirect_dma source(%dma_start3A_21 : memref<100x64xf32, #tpu.memory_space<hbm>>) target(%arg13 : memref<512x64xf32, #tpu.memory_space<vmem>>) offsets(%arg9 : memref<512xi32, #tpu.memory_space<vmem>>) semaphore(%arg19 : memref<!tpu.dma_semaphore, #tpu.memory_space<semaphore_mem>>)
    %dma_wait3A_22 = tpu.memref_slice %arg3[%mul3A_2] : memref<16384xi32, #tpu.memory_space<hbm>> -> memref<512xi32, #tpu.memory_space<hbm>>
    %dma_wait3A_23 = tpu.memref_slice %arg3[%mul3A_2] : memref<16384xi32, #tpu.memory_space<hbm>> -> memref<512xi32, #tpu.memory_space<hbm>>
    tpu.wait_dma2 semaphore(%arg17 : memref<!tpu.dma_semaphore, #tpu.memory_space<semaphore_mem>>) src(%dma_wait3A_23 : memref<512xi32, #tpu.memory_space<hbm>>) dst(%arg10 : memref<512xi32, #tpu.memory_space<vmem>>)
    %dma_start3A_24 = arith.constant 0 : i32
    %dma_start3A_25 = arith.constant 0 : i32
    %dma_start3A_26 = tpu.memref_slice %arg5[%dma_start3A_24, %dma_start3A_25] : memref<100x64xf32, #tpu.memory_space<hbm>> -> memref<100x64xf32, #tpu.memory_space<hbm>>
    tpu.enqueue_indirect_dma source(%dma_start3A_26 : memref<100x64xf32, #tpu.memory_space<hbm>>) target(%arg14 : memref<512x64xf32, #tpu.memory_space<vmem>>) offsets(%arg10 : memref<512xi32, #tpu.memory_space<vmem>>) semaphore(%arg20 : memref<!tpu.dma_semaphore, #tpu.memory_space<semaphore_mem>>)
    %broadcast_in_dim3A = arith.constant 1 : i32
    %broadcast_in_dim3A_27 = vector.broadcast %broadcast_in_dim3A : i32 to vector<16xi32>
    %dma_wait3A_28 = arith.constant 0 : i32
    %dma_wait3A_29 = arith.constant 0 : i32
    %dma_wait3A_30 = tpu.memref_slice %arg11[%dma_wait3A_28, %dma_wait3A_29] : memref<100x65xf32, #tpu.memory_space<vmem>> -> memref<100x64xf32, #tpu.memory_space<vmem>>
    %dma_wait3A_31 = arith.constant 0 : i32
    %dma_wait3A_32 = arith.constant 0 : i32
    %dma_wait3A_33 = tpu.memref_slice %arg11[%dma_wait3A_31, %dma_wait3A_32] : memref<100x65xf32, #tpu.memory_space<vmem>> -> memref<100x64xf32, #tpu.memory_space<vmem>>
    tpu.wait_dma2 semaphore(%arg18 : memref<!tpu.dma_semaphore, #tpu.memory_space<semaphore_mem>>) src(%arg4 : memref<100x64xf32, #tpu.memory_space<hbm>>) dst(%dma_wait3A_33 : memref<100x64xf32, #tpu.memory_space<vmem>>)
    %broadcast_in_dim3A_34 = arith.constant 0 : i32
    %broadcast_in_dim3A_35 = vector.broadcast %broadcast_in_dim3A_34 : i32 to vector<16xi32>
    %scan3A = arith.constant 0 : i32
    %scan3A_36 = arith.constant 0 : i32
    %scan3A_37 = arith.constant 32 : i32
    %scan3A_38 = arith.addi %scan3A_36, %scan3A_37 : i32
    %scan3A_39 = arith.constant 1 : i32
    scf.for %scan3A_349 = %scan3A_36 to %scan3A_38 step %scan3A_39  : i32 {
      %jit3A = arith.constant 8 : i32
      %div3A = arith.divsi %scan3A_349, %jit3A : i32
      %sign3A = arith.constant 0 : i32
      %sign3A_350 = arith.cmpi sgt, %scan3A_349, %sign3A : i32
      %sign3A_351 = arith.extui %sign3A_350 : i1 to i32
      %sign3A_352 = arith.constant 0 : i32
      %sign3A_353 = arith.cmpi slt, %scan3A_349, %sign3A_352 : i32
      %sign3A_354 = arith.extui %sign3A_353 : i1 to i32
      %sign3A_355 = arith.subi %sign3A_351, %sign3A_354 : i32
      %sign3A_356 = arith.constant 0 : i32
      %sign3A_357 = arith.cmpi sgt, %jit3A, %sign3A_356 : i32
      %sign3A_358 = arith.extui %sign3A_357 : i1 to i32
      %sign3A_359 = arith.constant 0 : i32
      %sign3A_360 = arith.cmpi slt, %jit3A, %sign3A_359 : i32
      %sign3A_361 = arith.extui %sign3A_360 : i1 to i32
      %sign3A_362 = arith.subi %sign3A_358, %sign3A_361 : i32
      %ne3A = arith.cmpi ne, %sign3A_355, %sign3A_362 : i32
      %rem3A = arith.remsi %scan3A_349, %jit3A : i32
      %ne3A_363 = arith.constant 0 : i32
      %ne3A_364 = arith.cmpi ne, %rem3A, %ne3A_363 : i32
      %and3A = arith.andi %ne3A, %ne3A_364 : i1
      %sub3A = arith.constant 1 : i32
      %sub3A_365 = arith.subi %div3A, %sub3A : i32
      %select_n3A = arith.select %and3A, %sub3A_365, %div3A : i32
      %mul3A_366 = arith.constant 8 : i32
      %mul3A_367 = arith.muli %select_n3A, %mul3A_366 : i32
      %sub3A_368 = arith.subi %scan3A_349, %mul3A_367 : i32
      %mul3A_369 = arith.constant 1024 : i32
      %mul3A_370 = arith.muli %select_n3A, %mul3A_369 : i32
      %mul3A_371 = arith.constant 16 : i32
      %mul3A_372 = arith.muli %sub3A_368, %mul3A_371 : i32
      %add3A_373 = arith.addi %mul3A_370, %mul3A_372 : i32
      %mul3A_374 = arith.constant 16 : i32
      %mul3A_375 = arith.muli %scan3A_349, %mul3A_374 : i32
      %get3A = arith.index_cast %mul3A_375 : i32 to index
      %get3A_376 = tpu.vector_load %arg9[%get3A] {strides = array<i32>} : memref<512xi32, #tpu.memory_space<vmem>>, vector<16xi32>,
      %gather3A = tpu.vector_load_idx %arg11[%get3A_376, %broadcast_in_dim3A_35] : memref<100x65xf32, #tpu.memory_space<vmem>>[vector<16xi32>, vector<16xi32>], vector<16xf32>,
      %add3A_377 = arith.addi %broadcast_in_dim3A_35, %broadcast_in_dim3A_27 : vector<16xi32>
      %gather3A_378 = tpu.vector_load_idx %arg11[%get3A_376, %add3A_377] : memref<100x65xf32, #tpu.memory_space<vmem>>[vector<16xi32>, vector<16xi32>], vector<16xf32>,
      %add3A_379 = arith.addi %add3A_377, %broadcast_in_dim3A_27 : vector<16xi32>
      %gather3A_380 = tpu.vector_load_idx %arg11[%get3A_376, %add3A_379] : memref<100x65xf32, #tpu.memory_space<vmem>>[vector<16xi32>, vector<16xi32>], vector<16xf32>,
      %add3A_381 = arith.addi %add3A_379, %broadcast_in_dim3A_27 : vector<16xi32>
      %gather3A_382 = tpu.vector_load_idx %arg11[%get3A_376, %add3A_381] : memref<100x65xf32, #tpu.memory_space<vmem>>[vector<16xi32>, vector<16xi32>], vector<16xf32>,
      %add3A_383 = arith.addi %add3A_381, %broadcast_in_dim3A_27 : vector<16xi32>
      %gather3A_384 = tpu.vector_load_idx %arg11[%get3A_376, %add3A_383] : memref<100x65xf32, #tpu.memory_space<vmem>>[vector<16xi32>, vector<16xi32>], vector<16xf32>,
      %add3A_385 = arith.addi %add3A_383, %broadcast_in_dim3A_27 : vector<16xi32>
      %gather3A_386 = tpu.vector_load_idx %arg11[%get3A_376, %add3A_385] : memref<100x65xf32, #tpu.memory_space<vmem>>[vector<16xi32>, vector<16xi32>], vector<16xf32>,
      %add3A_387 = arith.addi %add3A_385, %broadcast_in_dim3A_27 : vector<16xi32>
      %gather3A_388 = tpu.vector_load_idx %arg11[%get3A_376, %add3A_387] : memref<100x65xf32, #tpu.memory_space<vmem>>[vector<16xi32>, vector<16xi32>], vector<16xf32>,
      %add3A_389 = arith.addi %add3A_387, %broadcast_in_dim3A_27 : vector<16xi32>
      %gather3A_390 = tpu.vector_load_idx %arg11[%get3A_376, %add3A_389] : memref<100x65xf32, #tpu.memory_space<vmem>>[vector<16xi32>, vector<16xi32>], vector<16xf32>,
      %add3A_391 = arith.constant 0 : i32
      %add3A_392 = arith.addi %add3A_373, %add3A_391 : i32
      %add3A_393 = arith.constant 0 : i32
      %add3A_394 = arith.addi %add3A_392, %add3A_393 : i32
      %swap3A = arith.index_cast %add3A_394 : i32 to index
      %swap3A_395 = tpu.vector_load %arg15[%swap3A] {strides = array<i32>} : memref<16384xf32, #tpu.memory_space<vmem>>, vector<16xf32>,
      tpu.vector_store %arg15[%swap3A], %gather3A {strides = array<i32>} : memref<16384xf32, #tpu.memory_space<vmem>>, vector<16xf32>,
      %add3A_396 = arith.constant 0 : i32
      %add3A_397 = arith.addi %add3A_373, %add3A_396 : i32
      %add3A_398 = arith.constant 128 : i32
      %add3A_399 = arith.addi %add3A_397, %add3A_398 : i32
      %swap3A_400 = arith.index_cast %add3A_399 : i32 to index
      %swap3A_401 = tpu.vector_load %arg15[%swap3A_400] {strides = array<i32>} : memref<16384xf32, #tpu.memory_space<vmem>>, vector<16xf32>,
      tpu.vector_store %arg15[%swap3A_400], %gather3A_378 {strides = array<i32>} : memref<16384xf32, #tpu.memory_space<vmem>>, vector<16xf32>,
      %add3A_402 = arith.constant 0 : i32
      %add3A_403 = arith.addi %add3A_373, %add3A_402 : i32
      %add3A_404 = arith.constant 256 : i32
      %add3A_405 = arith.addi %add3A_403, %add3A_404 : i32
      %swap3A_406 = arith.index_cast %add3A_405 : i32 to index
      %swap3A_407 = tpu.vector_load %arg15[%swap3A_406] {strides = array<i32>} : memref<16384xf32, #tpu.memory_space<vmem>>, vector<16xf32>,
      tpu.vector_store %arg15[%swap3A_406], %gather3A_380 {strides = array<i32>} : memref<16384xf32, #tpu.memory_space<vmem>>, vector<16xf32>,
      %add3A_408 = arith.constant 0 : i32
      %add3A_409 = arith.addi %add3A_373, %add3A_408 : i32
      %add3A_410 = arith.constant 384 : i32
      %add3A_411 = arith.addi %add3A_409, %add3A_410 : i32
      %swap3A_412 = arith.index_cast %add3A_411 : i32 to index
      %swap3A_413 = tpu.vector_load %arg15[%swap3A_412] {strides = array<i32>} : memref<16384xf32, #tpu.memory_space<vmem>>, vector<16xf32>,
      tpu.vector_store %arg15[%swap3A_412], %gather3A_382 {strides = array<i32>} : memref<16384xf32, #tpu.memory_space<vmem>>, vector<16xf32>,
      %add3A_414 = arith.constant 0 : i32
      %add3A_415 = arith.addi %add3A_373, %add3A_414 : i32
      %add3A_416 = arith.constant 512 : i32
      %add3A_417 = arith.addi %add3A_415, %add3A_416 : i32
      %swap3A_418 = arith.index_cast %add3A_417 : i32 to index
      %swap3A_419 = tpu.vector_load %arg15[%swap3A_418] {strides = array<i32>} : memref<16384xf32, #tpu.memory_space<vmem>>, vector<16xf32>,
      tpu.vector_store %arg15[%swap3A_418], %gather3A_384 {strides = array<i32>} : memref<16384xf32, #tpu.memory_space<vmem>>, vector<16xf32>,
      %add3A_420 = arith.constant 0 : i32
      %add3A_421 = arith.addi %add3A_373, %add3A_420 : i32
      %add3A_422 = arith.constant 640 : i32
      %add3A_423 = arith.addi %add3A_421, %add3A_422 : i32
      %swap3A_424 = arith.index_cast %add3A_423 : i32 to index
      %swap3A_425 = tpu.vector_load %arg15[%swap3A_424] {strides = array<i32>} : memref<16384xf32, #tpu.memory_space<vmem>>, vector<16xf32>,
      tpu.vector_store %arg15[%swap3A_424], %gather3A_386 {strides = array<i32>} : memref<16384xf32, #tpu.memory_space<vmem>>, vector<16xf32>,
      %add3A_426 = arith.constant 0 : i32
      %add3A_427 = arith.addi %add3A_373, %add3A_426 : i32
      %add3A_428 = arith.constant 768 : i32
      %add3A_429 = arith.addi %add3A_427, %add3A_428 : i32
      %swap3A_430 = arith.index_cast %add3A_429 : i32 to index
      %swap3A_431 = tpu.vector_load %arg15[%swap3A_430] {strides = array<i32>} : memref<16384xf32, #tpu.memory_space<vmem>>, vector<16xf32>,
      tpu.vector_store %arg15[%swap3A_430], %gather3A_388 {strides = array<i32>} : memref<16384xf32, #tpu.memory_space<vmem>>, vector<16xf32>,
      %add3A_432 = arith.constant 0 : i32
      %add3A_433 = arith.addi %add3A_373, %add3A_432 : i32
      %add3A_434 = arith.constant 896 : i32
      %add3A_435 = arith.addi %add3A_433, %add3A_434 : i32
      %swap3A_436 = arith.index_cast %add3A_435 : i32 to index
      %swap3A_437 = tpu.vector_load %arg15[%swap3A_436] {strides = array<i32>} : memref<16384xf32, #tpu.memory_space<vmem>>, vector<16xf32>,
      tpu.vector_store %arg15[%swap3A_436], %gather3A_390 {strides = array<i32>} : memref<16384xf32, #tpu.memory_space<vmem>>, vector<16xf32>,
      %add3A_438 = arith.addi %add3A_389, %broadcast_in_dim3A_27 : vector<16xi32>
      %gather3A_439 = tpu.vector_load_idx %arg11[%get3A_376, %add3A_438] : memref<100x65xf32, #tpu.memory_space<vmem>>[vector<16xi32>, vector<16xi32>], vector<16xf32>,
      %add3A_440 = arith.addi %add3A_438, %broadcast_in_dim3A_27 : vector<16xi32>
      %gather3A_441 = tpu.vector_load_idx %arg11[%get3A_376, %add3A_440] : memref<100x65xf32, #tpu.memory_space<vmem>>[vector<16xi32>, vector<16xi32>], vector<16xf32>,
      %add3A_442 = arith.addi %add3A_440, %broadcast_in_dim3A_27 : vector<16xi32>
      %gather3A_443 = tpu.vector_load_idx %arg11[%get3A_376, %add3A_442] : memref<100x65xf32, #tpu.memory_space<vmem>>[vector<16xi32>, vector<16xi32>], vector<16xf32>,
      %add3A_444 = arith.addi %add3A_442, %broadcast_in_dim3A_27 : vector<16xi32>
      %gather3A_445 = tpu.vector_load_idx %arg11[%get3A_376, %add3A_444] : memref<100x65xf32, #tpu.memory_space<vmem>>[vector<16xi32>, vector<16xi32>], vector<16xf32>,
      %add3A_446 = arith.addi %add3A_444, %broadcast_in_dim3A_27 : vector<16xi32>
      %gather3A_447 = tpu.vector_load_idx %arg11[%get3A_376, %add3A_446] : memref<100x65xf32, #tpu.memory_space<vmem>>[vector<16xi32>, vector<16xi32>], vector<16xf32>,
      %add3A_448 = arith.addi %add3A_446, %broadcast_in_dim3A_27 : vector<16xi32>
      %gather3A_449 = tpu.vector_load_idx %arg11[%get3A_376, %add3A_448] : memref<100x65xf32, #tpu.memory_space<vmem>>[vector<16xi32>, vector<16xi32>], vector<16xf32>,
      %add3A_450 = arith.addi %add3A_448, %broadcast_in_dim3A_27 : vector<16xi32>
      %gather3A_451 = tpu.vector_load_idx %arg11[%get3A_376, %add3A_450] : memref<100x65xf32, #tpu.memory_space<vmem>>[vector<16xi32>, vector<16xi32>], vector<16xf32>,
      %add3A_452 = arith.addi %add3A_450, %broadcast_in_dim3A_27 : vector<16xi32>
      %gather3A_453 = tpu.vector_load_idx %arg11[%get3A_376, %add3A_452] : memref<100x65xf32, #tpu.memory_space<vmem>>[vector<16xi32>, vector<16xi32>], vector<16xf32>,
      %add3A_454 = arith.constant 4096 : i32
      %add3A_455 = arith.addi %add3A_373, %add3A_454 : i32
      %add3A_456 = arith.constant 0 : i32
      %add3A_457 = arith.addi %add3A_455, %add3A_456 : i32
      %swap3A_458 = arith.index_cast %add3A_457 : i32 to index
      %swap3A_459 = tpu.vector_load %arg15[%swap3A_458] {strides = array<i32>} : memref<16384xf32, #tpu.memory_space<vmem>>, vector<16xf32>,
      tpu.vector_store %arg15[%swap3A_458], %gather3A_439 {strides = array<i32>} : memref<16384xf32, #tpu.memory_space<vmem>>, vector<16xf32>,
      %add3A_460 = arith.constant 4096 : i32
      %add3A_461 = arith.addi %add3A_373, %add3A_460 : i32
      %add3A_462 = arith.constant 128 : i32
      %add3A_463 = arith.addi %add3A_461, %add3A_462 : i32
      %swap3A_464 = arith.index_cast %add3A_463 : i32 to index
      %swap3A_465 = tpu.vector_load %arg15[%swap3A_464] {strides = array<i32>} : memref<16384xf32, #tpu.memory_space<vmem>>, vector<16xf32>,
      tpu.vector_store %arg15[%swap3A_464], %gather3A_441 {strides = array<i32>} : memref<16384xf32, #tpu.memory_space<vmem>>, vector<16xf32>,
      %add3A_466 = arith.constant 4096 : i32
      %add3A_467 = arith.addi %add3A_373, %add3A_466 : i32
      %add3A_468 = arith.constant 256 : i32
      %add3A_469 = arith.addi %add3A_467, %add3A_468 : i32
      %swap3A_470 = arith.index_cast %add3A_469 : i32 to index
      %swap3A_471 = tpu.vector_load %arg15[%swap3A_470] {strides = array<i32>} : memref<16384xf32, #tpu.memory_space<vmem>>, vector<16xf32>,
      tpu.vector_store %arg15[%swap3A_470], %gather3A_443 {strides = array<i32>} : memref<16384xf32, #tpu.memory_space<vmem>>, vector<16xf32>,
      %add3A_472 = arith.constant 4096 : i32
      %add3A_473 = arith.addi %add3A_373, %add3A_472 : i32
      %add3A_474 = arith.constant 384 : i32
      %add3A_475 = arith.addi %add3A_473, %add3A_474 : i32
      %swap3A_476 = arith.index_cast %add3A_475 : i32 to index
      %swap3A_477 = tpu.vector_load %arg15[%swap3A_476] {strides = array<i32>} : memref<16384xf32, #tpu.memory_space<vmem>>, vector<16xf32>,
      tpu.vector_store %arg15[%swap3A_476], %gather3A_445 {strides = array<i32>} : memref<16384xf32, #tpu.memory_space<vmem>>, vector<16xf32>,
      %add3A_478 = arith.constant 4096 : i32
      %add3A_479 = arith.addi %add3A_373, %add3A_478 : i32
      %add3A_480 = arith.constant 512 : i32
      %add3A_481 = arith.addi %add3A_479, %add3A_480 : i32
      %swap3A_482 = arith.index_cast %add3A_481 : i32 to index
      %swap3A_483 = tpu.vector_load %arg15[%swap3A_482] {strides = array<i32>} : memref<16384xf32, #tpu.memory_space<vmem>>, vector<16xf32>,
      tpu.vector_store %arg15[%swap3A_482], %gather3A_447 {strides = array<i32>} : memref<16384xf32, #tpu.memory_space<vmem>>, vector<16xf32>,
      %add3A_484 = arith.constant 4096 : i32
      %add3A_485 = arith.addi %add3A_373, %add3A_484 : i32
      %add3A_486 = arith.constant 640 : i32
      %add3A_487 = arith.addi %add3A_485, %add3A_486 : i32
      %swap3A_488 = arith.index_cast %add3A_487 : i32 to index
      %swap3A_489 = tpu.vector_load %arg15[%swap3A_488] {strides = array<i32>} : memref<16384xf32, #tpu.memory_space<vmem>>, vector<16xf32>,
      tpu.vector_store %arg15[%swap3A_488], %gather3A_449 {strides = array<i32>} : memref<16384xf32, #tpu.memory_space<vmem>>, vector<16xf32>,
      %add3A_490 = arith.constant 4096 : i32
      %add3A_491 = arith.addi %add3A_373, %add3A_490 : i32
      %add3A_492 = arith.constant 768 : i32
      %add3A_493 = arith.addi %add3A_491, %add3A_492 : i32
      %swap3A_494 = arith.index_cast %add3A_493 : i32 to index
      %swap3A_495 = tpu.vector_load %arg15[%swap3A_494] {strides = array<i32>} : memref<16384xf32, #tpu.memory_space<vmem>>, vector<16xf32>,
      tpu.vector_store %arg15[%swap3A_494], %gather3A_451 {strides = array<i32>} : memref<16384xf32, #tpu.memory_space<vmem>>, vector<16xf32>,
      %add3A_496 = arith.constant 4096 : i32
      %add3A_497 = arith.addi %add3A_373, %add3A_496 : i32
      %add3A_498 = arith.constant 896 : i32
      %add3A_499 = arith.addi %add3A_497, %add3A_498 : i32
      %swap3A_500 = arith.index_cast %add3A_499 : i32 to index
      %swap3A_501 = tpu.vector_load %arg15[%swap3A_500] {strides = array<i32>} : memref<16384xf32, #tpu.memory_space<vmem>>, vector<16xf32>,
      tpu.vector_store %arg15[%swap3A_500], %gather3A_453 {strides = array<i32>} : memref<16384xf32, #tpu.memory_space<vmem>>, vector<16xf32>,
      %add3A_502 = arith.addi %add3A_452, %broadcast_in_dim3A_27 : vector<16xi32>
      %gather3A_503 = tpu.vector_load_idx %arg11[%get3A_376, %add3A_502] : memref<100x65xf32, #tpu.memory_space<vmem>>[vector<16xi32>, vector<16xi32>], vector<16xf32>,
      %add3A_504 = arith.addi %add3A_502, %broadcast_in_dim3A_27 : vector<16xi32>
      %gather3A_505 = tpu.vector_load_idx %arg11[%get3A_376, %add3A_504] : memref<100x65xf32, #tpu.memory_space<vmem>>[vector<16xi32>, vector<16xi32>], vector<16xf32>,
      %add3A_506 = arith.addi %add3A_504, %broadcast_in_dim3A_27 : vector<16xi32>
      %gather3A_507 = tpu.vector_load_idx %arg11[%get3A_376, %add3A_506] : memref<100x65xf32, #tpu.memory_space<vmem>>[vector<16xi32>, vector<16xi32>], vector<16xf32>,
      %add3A_508 = arith.addi %add3A_506, %broadcast_in_dim3A_27 : vector<16xi32>
      %gather3A_509 = tpu.vector_load_idx %arg11[%get3A_376, %add3A_508] : memref<100x65xf32, #tpu.memory_space<vmem>>[vector<16xi32>, vector<16xi32>], vector<16xf32>,
      %add3A_510 = arith.addi %add3A_508, %broadcast_in_dim3A_27 : vector<16xi32>
      %gather3A_511 = tpu.vector_load_idx %arg11[%get3A_376, %add3A_510] : memref<100x65xf32, #tpu.memory_space<vmem>>[vector<16xi32>, vector<16xi32>], vector<16xf32>,
      %add3A_512 = arith.addi %add3A_510, %broadcast_in_dim3A_27 : vector<16xi32>
      %gather3A_513 = tpu.vector_load_idx %arg11[%get3A_376, %add3A_512] : memref<100x65xf32, #tpu.memory_space<vmem>>[vector<16xi32>, vector<16xi32>], vector<16xf32>,
      %add3A_514 = arith.addi %add3A_512, %broadcast_in_dim3A_27 : vector<16xi32>
      %gather3A_515 = tpu.vector_load_idx %arg11[%get3A_376, %add3A_514] : memref<100x65xf32, #tpu.memory_space<vmem>>[vector<16xi32>, vector<16xi32>], vector<16xf32>,
      %add3A_516 = arith.addi %add3A_514, %broadcast_in_dim3A_27 : vector<16xi32>
      %gather3A_517 = tpu.vector_load_idx %arg11[%get3A_376, %add3A_516] : memref<100x65xf32, #tpu.memory_space<vmem>>[vector<16xi32>, vector<16xi32>], vector<16xf32>,
      %add3A_518 = arith.constant 8192 : i32
      %add3A_519 = arith.addi %add3A_373, %add3A_518 : i32
      %add3A_520 = arith.constant 0 : i32
      %add3A_521 = arith.addi %add3A_519, %add3A_520 : i32
      %swap3A_522 = arith.index_cast %add3A_521 : i32 to index
      %swap3A_523 = tpu.vector_load %arg15[%swap3A_522] {strides = array<i32>} : memref<16384xf32, #tpu.memory_space<vmem>>, vector<16xf32>,
      tpu.vector_store %arg15[%swap3A_522], %gather3A_503 {strides = array<i32>} : memref<16384xf32, #tpu.memory_space<vmem>>, vector<16xf32>,
      %add3A_524 = arith.constant 8192 : i32
      %add3A_525 = arith.addi %add3A_373, %add3A_524 : i32
      %add3A_526 = arith.constant 128 : i32
      %add3A_527 = arith.addi %add3A_525, %add3A_526 : i32
      %swap3A_528 = arith.index_cast %add3A_527 : i32 to index
      %swap3A_529 = tpu.vector_load %arg15[%swap3A_528] {strides = array<i32>} : memref<16384xf32, #tpu.memory_space<vmem>>, vector<16xf32>,
      tpu.vector_store %arg15[%swap3A_528], %gather3A_505 {strides = array<i32>} : memref<16384xf32, #tpu.memory_space<vmem>>, vector<16xf32>,
      %add3A_530 = arith.constant 8192 : i32
      %add3A_531 = arith.addi %add3A_373, %add3A_530 : i32
      %add3A_532 = arith.constant 256 : i32
      %add3A_533 = arith.addi %add3A_531, %add3A_532 : i32
      %swap3A_534 = arith.index_cast %add3A_533 : i32 to index
      %swap3A_535 = tpu.vector_load %arg15[%swap3A_534] {strides = array<i32>} : memref<16384xf32, #tpu.memory_space<vmem>>, vector<16xf32>,
      tpu.vector_store %arg15[%swap3A_534], %gather3A_507 {strides = array<i32>} : memref<16384xf32, #tpu.memory_space<vmem>>, vector<16xf32>,
      %add3A_536 = arith.constant 8192 : i32
      %add3A_537 = arith.addi %add3A_373, %add3A_536 : i32
      %add3A_538 = arith.constant 384 : i32
      %add3A_539 = arith.addi %add3A_537, %add3A_538 : i32
      %swap3A_540 = arith.index_cast %add3A_539 : i32 to index
      %swap3A_541 = tpu.vector_load %arg15[%swap3A_540] {strides = array<i32>} : memref<16384xf32, #tpu.memory_space<vmem>>, vector<16xf32>,
      tpu.vector_store %arg15[%swap3A_540], %gather3A_509 {strides = array<i32>} : memref<16384xf32, #tpu.memory_space<vmem>>, vector<16xf32>,
      %add3A_542 = arith.constant 8192 : i32
      %add3A_543 = arith.addi %add3A_373, %add3A_542 : i32
      %add3A_544 = arith.constant 512 : i32
      %add3A_545 = arith.addi %add3A_543, %add3A_544 : i32
      %swap3A_546 = arith.index_cast %add3A_545 : i32 to index
      %swap3A_547 = tpu.vector_load %arg15[%swap3A_546] {strides = array<i32>} : memref<16384xf32, #tpu.memory_space<vmem>>, vector<16xf32>,
      tpu.vector_store %arg15[%swap3A_546], %gather3A_511 {strides = array<i32>} : memref<16384xf32, #tpu.memory_space<vmem>>, vector<16xf32>,
      %add3A_548 = arith.constant 8192 : i32
      %add3A_549 = arith.addi %add3A_373, %add3A_548 : i32
      %add3A_550 = arith.constant 640 : i32
      %add3A_551 = arith.addi %add3A_549, %add3A_550 : i32
      %swap3A_552 = arith.index_cast %add3A_551 : i32 to index
      %swap3A_553 = tpu.vector_load %arg15[%swap3A_552] {strides = array<i32>} : memref<16384xf32, #tpu.memory_space<vmem>>, vector<16xf32>,
      tpu.vector_store %arg15[%swap3A_552], %gather3A_513 {strides = array<i32>} : memref<16384xf32, #tpu.memory_space<vmem>>, vector<16xf32>,
      %add3A_554 = arith.constant 8192 : i32
      %add3A_555 = arith.addi %add3A_373, %add3A_554 : i32
      %add3A_556 = arith.constant 768 : i32
      %add3A_557 = arith.addi %add3A_555, %add3A_556 : i32
      %swap3A_558 = arith.index_cast %add3A_557 : i32 to index
      %swap3A_559 = tpu.vector_load %arg15[%swap3A_558] {strides = array<i32>} : memref<16384xf32, #tpu.memory_space<vmem>>, vector<16xf32>,
      tpu.vector_store %arg15[%swap3A_558], %gather3A_515 {strides = array<i32>} : memref<16384xf32, #tpu.memory_space<vmem>>, vector<16xf32>,
      %add3A_560 = arith.constant 8192 : i32
      %add3A_561 = arith.addi %add3A_373, %add3A_560 : i32
      %add3A_562 = arith.constant 896 : i32
      %add3A_563 = arith.addi %add3A_561, %add3A_562 : i32
      %swap3A_564 = arith.index_cast %add3A_563 : i32 to index
      %swap3A_565 = tpu.vector_load %arg15[%swap3A_564] {strides = array<i32>} : memref<16384xf32, #tpu.memory_space<vmem>>, vector<16xf32>,
      tpu.vector_store %arg15[%swap3A_564], %gather3A_517 {strides = array<i32>} : memref<16384xf32, #tpu.memory_space<vmem>>, vector<16xf32>,
      %add3A_566 = arith.addi %add3A_516, %broadcast_in_dim3A_27 : vector<16xi32>
      %gather3A_567 = tpu.vector_load_idx %arg11[%get3A_376, %add3A_566] : memref<100x65xf32, #tpu.memory_space<vmem>>[vector<16xi32>, vector<16xi32>], vector<16xf32>,
      %add3A_568 = arith.addi %add3A_566, %broadcast_in_dim3A_27 : vector<16xi32>
      %gather3A_569 = tpu.vector_load_idx %arg11[%get3A_376, %add3A_568] : memref<100x65xf32, #tpu.memory_space<vmem>>[vector<16xi32>, vector<16xi32>], vector<16xf32>,
      %add3A_570 = arith.addi %add3A_568, %broadcast_in_dim3A_27 : vector<16xi32>
      %gather3A_571 = tpu.vector_load_idx %arg11[%get3A_376, %add3A_570] : memref<100x65xf32, #tpu.memory_space<vmem>>[vector<16xi32>, vector<16xi32>], vector<16xf32>,
      %add3A_572 = arith.addi %add3A_570, %broadcast_in_dim3A_27 : vector<16xi32>
      %gather3A_573 = tpu.vector_load_idx %arg11[%get3A_376, %add3A_572] : memref<100x65xf32, #tpu.memory_space<vmem>>[vector<16xi32>, vector<16xi32>], vector<16xf32>,
      %add3A_574 = arith.addi %add3A_572, %broadcast_in_dim3A_27 : vector<16xi32>
      %gather3A_575 = tpu.vector_load_idx %arg11[%get3A_376, %add3A_574] : memref<100x65xf32, #tpu.memory_space<vmem>>[vector<16xi32>, vector<16xi32>], vector<16xf32>,
      %add3A_576 = arith.addi %add3A_574, %broadcast_in_dim3A_27 : vector<16xi32>
      %gather3A_577 = tpu.vector_load_idx %arg11[%get3A_376, %add3A_576] : memref<100x65xf32, #tpu.memory_space<vmem>>[vector<16xi32>, vector<16xi32>], vector<16xf32>,
      %add3A_578 = arith.addi %add3A_576, %broadcast_in_dim3A_27 : vector<16xi32>
      %gather3A_579 = tpu.vector_load_idx %arg11[%get3A_376, %add3A_578] : memref<100x65xf32, #tpu.memory_space<vmem>>[vector<16xi32>, vector<16xi32>], vector<16xf32>,
      %add3A_580 = arith.addi %add3A_578, %broadcast_in_dim3A_27 : vector<16xi32>
      %gather3A_581 = tpu.vector_load_idx %arg11[%get3A_376, %add3A_580] : memref<100x65xf32, #tpu.memory_space<vmem>>[vector<16xi32>, vector<16xi32>], vector<16xf32>,
      %add3A_582 = arith.constant 12288 : i32
      %add3A_583 = arith.addi %add3A_373, %add3A_582 : i32
      %add3A_584 = arith.constant 0 : i32
      %add3A_585 = arith.addi %add3A_583, %add3A_584 : i32
      %swap3A_586 = arith.index_cast %add3A_585 : i32 to index
      %swap3A_587 = tpu.vector_load %arg15[%swap3A_586] {strides = array<i32>} : memref<16384xf32, #tpu.memory_space<vmem>>, vector<16xf32>,
      tpu.vector_store %arg15[%swap3A_586], %gather3A_567 {strides = array<i32>} : memref<16384xf32, #tpu.memory_space<vmem>>, vector<16xf32>,
      %add3A_588 = arith.constant 12288 : i32
      %add3A_589 = arith.addi %add3A_373, %add3A_588 : i32
      %add3A_590 = arith.constant 128 : i32
      %add3A_591 = arith.addi %add3A_589, %add3A_590 : i32
      %swap3A_592 = arith.index_cast %add3A_591 : i32 to index
      %swap3A_593 = tpu.vector_load %arg15[%swap3A_592] {strides = array<i32>} : memref<16384xf32, #tpu.memory_space<vmem>>, vector<16xf32>,
      tpu.vector_store %arg15[%swap3A_592], %gather3A_569 {strides = array<i32>} : memref<16384xf32, #tpu.memory_space<vmem>>, vector<16xf32>,
      %add3A_594 = arith.constant 12288 : i32
      %add3A_595 = arith.addi %add3A_373, %add3A_594 : i32
      %add3A_596 = arith.constant 256 : i32
      %add3A_597 = arith.addi %add3A_595, %add3A_596 : i32
      %swap3A_598 = arith.index_cast %add3A_597 : i32 to index
      %swap3A_599 = tpu.vector_load %arg15[%swap3A_598] {strides = array<i32>} : memref<16384xf32, #tpu.memory_space<vmem>>, vector<16xf32>,
      tpu.vector_store %arg15[%swap3A_598], %gather3A_571 {strides = array<i32>} : memref<16384xf32, #tpu.memory_space<vmem>>, vector<16xf32>,
      %add3A_600 = arith.constant 12288 : i32
      %add3A_601 = arith.addi %add3A_373, %add3A_600 : i32
      %add3A_602 = arith.constant 384 : i32
      %add3A_603 = arith.addi %add3A_601, %add3A_602 : i32
      %swap3A_604 = arith.index_cast %add3A_603 : i32 to index
      %swap3A_605 = tpu.vector_load %arg15[%swap3A_604] {strides = array<i32>} : memref<16384xf32, #tpu.memory_space<vmem>>, vector<16xf32>,
      tpu.vector_store %arg15[%swap3A_604], %gather3A_573 {strides = array<i32>} : memref<16384xf32, #tpu.memory_space<vmem>>, vector<16xf32>,
      %add3A_606 = arith.constant 12288 : i32
      %add3A_607 = arith.addi %add3A_373, %add3A_606 : i32
      %add3A_608 = arith.constant 512 : i32
      %add3A_609 = arith.addi %add3A_607, %add3A_608 : i32
      %swap3A_610 = arith.index_cast %add3A_609 : i32 to index
      %swap3A_611 = tpu.vector_load %arg15[%swap3A_610] {strides = array<i32>} : memref<16384xf32, #tpu.memory_space<vmem>>, vector<16xf32>,
      tpu.vector_store %arg15[%swap3A_610], %gather3A_575 {strides = array<i32>} : memref<16384xf32, #tpu.memory_space<vmem>>, vector<16xf32>,
      %add3A_612 = arith.constant 12288 : i32
      %add3A_613 = arith.addi %add3A_373, %add3A_612 : i32
      %add3A_614 = arith.constant 640 : i32
      %add3A_615 = arith.addi %add3A_613, %add3A_614 : i32
      %swap3A_616 = arith.index_cast %add3A_615 : i32 to index
      %swap3A_617 = tpu.vector_load %arg15[%swap3A_616] {strides = array<i32>} : memref<16384xf32, #tpu.memory_space<vmem>>, vector<16xf32>,
      tpu.vector_store %arg15[%swap3A_616], %gather3A_577 {strides = array<i32>} : memref<16384xf32, #tpu.memory_space<vmem>>, vector<16xf32>,
      %add3A_618 = arith.constant 12288 : i32
      %add3A_619 = arith.addi %add3A_373, %add3A_618 : i32
      %add3A_620 = arith.constant 768 : i32
      %add3A_621 = arith.addi %add3A_619, %add3A_620 : i32
      %swap3A_622 = arith.index_cast %add3A_621 : i32 to index
      %swap3A_623 = tpu.vector_load %arg15[%swap3A_622] {strides = array<i32>} : memref<16384xf32, #tpu.memory_space<vmem>>, vector<16xf32>,
      tpu.vector_store %arg15[%swap3A_622], %gather3A_579 {strides = array<i32>} : memref<16384xf32, #tpu.memory_space<vmem>>, vector<16xf32>,
      %add3A_624 = arith.constant 12288 : i32
      %add3A_625 = arith.addi %add3A_373, %add3A_624 : i32
      %add3A_626 = arith.constant 896 : i32
      %add3A_627 = arith.addi %add3A_625, %add3A_626 : i32
      %swap3A_628 = arith.index_cast %add3A_627 : i32 to index
      %swap3A_629 = tpu.vector_load %arg15[%swap3A_628] {strides = array<i32>} : memref<16384xf32, #tpu.memory_space<vmem>>, vector<16xf32>,
      tpu.vector_store %arg15[%swap3A_628], %gather3A_581 {strides = array<i32>} : memref<16384xf32, #tpu.memory_space<vmem>>, vector<16xf32>,
    }
    %scan3A_40 = arith.constant 32 : i32
    %mul3A_41 = arith.constant 4096 : i32
    %mul3A_42 = arith.muli %add3A, %mul3A_41 : i32
    %add3A_43 = arith.constant 0 : i32
    %add3A_44 = arith.addi %add3A_43, %mul3A_42 : i32
    %dma_start3A_45 = arith.constant 0 : i32
    %dma_start3A_46 = tpu.memref_slice %arg15[%dma_start3A_45] : memref<16384xf32, #tpu.memory_space<vmem>> -> memref<4096xf32, #tpu.memory_space<vmem>>
    %dma_start3A_47 = tpu.memref_slice %arg7[%add3A_44] : memref<1048576xf32, #tpu.memory_space<hbm>> -> memref<4096xf32, #tpu.memory_space<hbm>>
    %dma_start3A_48 = tpu.memref_slice %arg7[%add3A_44] : memref<1048576xf32, #tpu.memory_space<hbm>> -> memref<4096xf32, #tpu.memory_space<hbm>>
    %dma_start3A_49 = arith.constant 0 : i32
    %dma_start3A_50 = tpu.memref_slice %arg15[%dma_start3A_49] : memref<16384xf32, #tpu.memory_space<vmem>> -> memref<4096xf32, #tpu.memory_space<vmem>>
    tpu.enqueue_dma source(%dma_start3A_50 : memref<4096xf32, #tpu.memory_space<vmem>>) target(%dma_start3A_48 : memref<4096xf32, #tpu.memory_space<hbm>>) target_semaphore(%arg21 : memref<!tpu.dma_semaphore, #tpu.memory_space<semaphore_mem>>)
    %mul3A_51 = arith.constant 4096 : i32
    %mul3A_52 = arith.muli %add3A, %mul3A_51 : i32
    %add3A_53 = arith.constant 131072 : i32
    %add3A_54 = arith.addi %add3A_53, %mul3A_52 : i32
    %dma_start3A_55 = arith.constant 4096 : i32
    %dma_start3A_56 = tpu.memref_slice %arg15[%dma_start3A_55] : memref<16384xf32, #tpu.memory_space<vmem>> -> memref<4096xf32, #tpu.memory_space<vmem>>
    %dma_start3A_57 = tpu.memref_slice %arg7[%add3A_54] : memref<1048576xf32, #tpu.memory_space<hbm>> -> memref<4096xf32, #tpu.memory_space<hbm>>
    %dma_start3A_58 = tpu.memref_slice %arg7[%add3A_54] : memref<1048576xf32, #tpu.memory_space<hbm>> -> memref<4096xf32, #tpu.memory_space<hbm>>
    %dma_start3A_59 = arith.constant 4096 : i32
    %dma_start3A_60 = tpu.memref_slice %arg15[%dma_start3A_59] : memref<16384xf32, #tpu.memory_space<vmem>> -> memref<4096xf32, #tpu.memory_space<vmem>>
    tpu.enqueue_dma source(%dma_start3A_60 : memref<4096xf32, #tpu.memory_space<vmem>>) target(%dma_start3A_58 : memref<4096xf32, #tpu.memory_space<hbm>>) target_semaphore(%arg21 : memref<!tpu.dma_semaphore, #tpu.memory_space<semaphore_mem>>)
    %mul3A_61 = arith.constant 4096 : i32
    %mul3A_62 = arith.muli %add3A, %mul3A_61 : i32
    %add3A_63 = arith.constant 262144 : i32
    %add3A_64 = arith.addi %add3A_63, %mul3A_62 : i32
    %dma_start3A_65 = arith.constant 8192 : i32
    %dma_start3A_66 = tpu.memref_slice %arg15[%dma_start3A_65] : memref<16384xf32, #tpu.memory_space<vmem>> -> memref<4096xf32, #tpu.memory_space<vmem>>
    %dma_start3A_67 = tpu.memref_slice %arg7[%add3A_64] : memref<1048576xf32, #tpu.memory_space<hbm>> -> memref<4096xf32, #tpu.memory_space<hbm>>
    %dma_start3A_68 = tpu.memref_slice %arg7[%add3A_64] : memref<1048576xf32, #tpu.memory_space<hbm>> -> memref<4096xf32, #tpu.memory_space<hbm>>
    %dma_start3A_69 = arith.constant 8192 : i32
    %dma_start3A_70 = tpu.memref_slice %arg15[%dma_start3A_69] : memref<16384xf32, #tpu.memory_space<vmem>> -> memref<4096xf32, #tpu.memory_space<vmem>>
    tpu.enqueue_dma source(%dma_start3A_70 : memref<4096xf32, #tpu.memory_space<vmem>>) target(%dma_start3A_68 : memref<4096xf32, #tpu.memory_space<hbm>>) target_semaphore(%arg21 : memref<!tpu.dma_semaphore, #tpu.memory_space<semaphore_mem>>)
    %mul3A_71 = arith.constant 4096 : i32
    %mul3A_72 = arith.muli %add3A, %mul3A_71 : i32
    %add3A_73 = arith.constant 393216 : i32
    %add3A_74 = arith.addi %add3A_73, %mul3A_72 : i32
    %dma_start3A_75 = arith.constant 12288 : i32
    %dma_start3A_76 = tpu.memref_slice %arg15[%dma_start3A_75] : memref<16384xf32, #tpu.memory_space<vmem>> -> memref<4096xf32, #tpu.memory_space<vmem>>
    %dma_start3A_77 = tpu.memref_slice %arg7[%add3A_74] : memref<1048576xf32, #tpu.memory_space<hbm>> -> memref<4096xf32, #tpu.memory_space<hbm>>
    %dma_start3A_78 = tpu.memref_slice %arg7[%add3A_74] : memref<1048576xf32, #tpu.memory_space<hbm>> -> memref<4096xf32, #tpu.memory_space<hbm>>
    %dma_start3A_79 = arith.constant 12288 : i32
    %dma_start3A_80 = tpu.memref_slice %arg15[%dma_start3A_79] : memref<16384xf32, #tpu.memory_space<vmem>> -> memref<4096xf32, #tpu.memory_space<vmem>>
    tpu.enqueue_dma source(%dma_start3A_80 : memref<4096xf32, #tpu.memory_space<vmem>>) target(%dma_start3A_78 : memref<4096xf32, #tpu.memory_space<hbm>>) target_semaphore(%arg21 : memref<!tpu.dma_semaphore, #tpu.memory_space<semaphore_mem>>)
    %broadcast_in_dim3A_81 = arith.constant 32 : i32
    %broadcast_in_dim3A_82 = vector.broadcast %broadcast_in_dim3A_81 : i32 to vector<16xi32>
    %scan3A_83 = arith.constant 0 : i32
    %scan3A_84 = arith.constant 0 : i32
    %scan3A_85 = arith.constant 32 : i32
    %scan3A_86 = arith.addi %scan3A_84, %scan3A_85 : i32
    %scan3A_87 = arith.constant 1 : i32
    scf.for %scan3A_349 = %scan3A_84 to %scan3A_86 step %scan3A_87  : i32 {
      %jit3A = arith.constant 8 : i32
      %div3A = arith.divsi %scan3A_349, %jit3A : i32
      %sign3A = arith.constant 0 : i32
      %sign3A_350 = arith.cmpi sgt, %scan3A_349, %sign3A : i32
      %sign3A_351 = arith.extui %sign3A_350 : i1 to i32
      %sign3A_352 = arith.constant 0 : i32
      %sign3A_353 = arith.cmpi slt, %scan3A_349, %sign3A_352 : i32
      %sign3A_354 = arith.extui %sign3A_353 : i1 to i32
      %sign3A_355 = arith.subi %sign3A_351, %sign3A_354 : i32
      %sign3A_356 = arith.constant 0 : i32
      %sign3A_357 = arith.cmpi sgt, %jit3A, %sign3A_356 : i32
      %sign3A_358 = arith.extui %sign3A_357 : i1 to i32
      %sign3A_359 = arith.constant 0 : i32
      %sign3A_360 = arith.cmpi slt, %jit3A, %sign3A_359 : i32
      %sign3A_361 = arith.extui %sign3A_360 : i1 to i32
      %sign3A_362 = arith.subi %sign3A_358, %sign3A_361 : i32
      %ne3A = arith.cmpi ne, %sign3A_355, %sign3A_362 : i32
      %rem3A = arith.remsi %scan3A_349, %jit3A : i32
      %ne3A_363 = arith.constant 0 : i32
      %ne3A_364 = arith.cmpi ne, %rem3A, %ne3A_363 : i32
      %and3A = arith.andi %ne3A, %ne3A_364 : i1
      %sub3A = arith.constant 1 : i32
      %sub3A_365 = arith.subi %div3A, %sub3A : i32
      %select_n3A = arith.select %and3A, %sub3A_365, %div3A : i32
      %mul3A_366 = arith.constant 8 : i32
      %mul3A_367 = arith.muli %select_n3A, %mul3A_366 : i32
      %sub3A_368 = arith.subi %scan3A_349, %mul3A_367 : i32
      %mul3A_369 = arith.constant 1024 : i32
      %mul3A_370 = arith.muli %select_n3A, %mul3A_369 : i32
      %mul3A_371 = arith.constant 16 : i32
      %mul3A_372 = arith.muli %sub3A_368, %mul3A_371 : i32
      %add3A_373 = arith.addi %mul3A_370, %mul3A_372 : i32
      %mul3A_374 = arith.constant 16 : i32
      %mul3A_375 = arith.muli %scan3A_349, %mul3A_374 : i32
      %get3A = arith.index_cast %mul3A_375 : i32 to index
      %get3A_376 = tpu.vector_load %arg9[%get3A] {strides = array<i32>} : memref<512xi32, #tpu.memory_space<vmem>>, vector<16xi32>,
      %gather3A = tpu.vector_load_idx %arg11[%get3A_376, %broadcast_in_dim3A_82] : memref<100x65xf32, #tpu.memory_space<vmem>>[vector<16xi32>, vector<16xi32>], vector<16xf32>,
      %add3A_377 = arith.addi %broadcast_in_dim3A_82, %broadcast_in_dim3A_27 : vector<16xi32>
      %gather3A_378 = tpu.vector_load_idx %arg11[%get3A_376, %add3A_377] : memref<100x65xf32, #tpu.memory_space<vmem>>[vector<16xi32>, vector<16xi32>], vector<16xf32>,
      %add3A_379 = arith.addi %add3A_377, %broadcast_in_dim3A_27 : vector<16xi32>
      %gather3A_380 = tpu.vector_load_idx %arg11[%get3A_376, %add3A_379] : memref<100x65xf32, #tpu.memory_space<vmem>>[vector<16xi32>, vector<16xi32>], vector<16xf32>,
      %add3A_381 = arith.addi %add3A_379, %broadcast_in_dim3A_27 : vector<16xi32>
      %gather3A_382 = tpu.vector_load_idx %arg11[%get3A_376, %add3A_381] : memref<100x65xf32, #tpu.memory_space<vmem>>[vector<16xi32>, vector<16xi32>], vector<16xf32>,
      %add3A_383 = arith.addi %add3A_381, %broadcast_in_dim3A_27 : vector<16xi32>
      %gather3A_384 = tpu.vector_load_idx %arg11[%get3A_376, %add3A_383] : memref<100x65xf32, #tpu.memory_space<vmem>>[vector<16xi32>, vector<16xi32>], vector<16xf32>,
      %add3A_385 = arith.addi %add3A_383, %broadcast_in_dim3A_27 : vector<16xi32>
      %gather3A_386 = tpu.vector_load_idx %arg11[%get3A_376, %add3A_385] : memref<100x65xf32, #tpu.memory_space<vmem>>[vector<16xi32>, vector<16xi32>], vector<16xf32>,
      %add3A_387 = arith.addi %add3A_385, %broadcast_in_dim3A_27 : vector<16xi32>
      %gather3A_388 = tpu.vector_load_idx %arg11[%get3A_376, %add3A_387] : memref<100x65xf32, #tpu.memory_space<vmem>>[vector<16xi32>, vector<16xi32>], vector<16xf32>,
      %add3A_389 = arith.addi %add3A_387, %broadcast_in_dim3A_27 : vector<16xi32>
      %gather3A_390 = tpu.vector_load_idx %arg11[%get3A_376, %add3A_389] : memref<100x65xf32, #tpu.memory_space<vmem>>[vector<16xi32>, vector<16xi32>], vector<16xf32>,
      %add3A_391 = arith.constant 0 : i32
      %add3A_392 = arith.addi %add3A_373, %add3A_391 : i32
      %add3A_393 = arith.constant 0 : i32
      %add3A_394 = arith.addi %add3A_392, %add3A_393 : i32
      %swap3A = arith.index_cast %add3A_394 : i32 to index
      %swap3A_395 = tpu.vector_load %arg16[%swap3A] {strides = array<i32>} : memref<16384xf32, #tpu.memory_space<vmem>>, vector<16xf32>,
      tpu.vector_store %arg16[%swap3A], %gather3A {strides = array<i32>} : memref<16384xf32, #tpu.memory_space<vmem>>, vector<16xf32>,
      %add3A_396 = arith.constant 0 : i32
      %add3A_397 = arith.addi %add3A_373, %add3A_396 : i32
      %add3A_398 = arith.constant 128 : i32
      %add3A_399 = arith.addi %add3A_397, %add3A_398 : i32
      %swap3A_400 = arith.index_cast %add3A_399 : i32 to index
      %swap3A_401 = tpu.vector_load %arg16[%swap3A_400] {strides = array<i32>} : memref<16384xf32, #tpu.memory_space<vmem>>, vector<16xf32>,
      tpu.vector_store %arg16[%swap3A_400], %gather3A_378 {strides = array<i32>} : memref<16384xf32, #tpu.memory_space<vmem>>, vector<16xf32>,
      %add3A_402 = arith.constant 0 : i32
      %add3A_403 = arith.addi %add3A_373, %add3A_402 : i32
      %add3A_404 = arith.constant 256 : i32
      %add3A_405 = arith.addi %add3A_403, %add3A_404 : i32
      %swap3A_406 = arith.index_cast %add3A_405 : i32 to index
      %swap3A_407 = tpu.vector_load %arg16[%swap3A_406] {strides = array<i32>} : memref<16384xf32, #tpu.memory_space<vmem>>, vector<16xf32>,
      tpu.vector_store %arg16[%swap3A_406], %gather3A_380 {strides = array<i32>} : memref<16384xf32, #tpu.memory_space<vmem>>, vector<16xf32>,
      %add3A_408 = arith.constant 0 : i32
      %add3A_409 = arith.addi %add3A_373, %add3A_408 : i32
      %add3A_410 = arith.constant 384 : i32
      %add3A_411 = arith.addi %add3A_409, %add3A_410 : i32
      %swap3A_412 = arith.index_cast %add3A_411 : i32 to index
      %swap3A_413 = tpu.vector_load %arg16[%swap3A_412] {strides = array<i32>} : memref<16384xf32, #tpu.memory_space<vmem>>, vector<16xf32>,
      tpu.vector_store %arg16[%swap3A_412], %gather3A_382 {strides = array<i32>} : memref<16384xf32, #tpu.memory_space<vmem>>, vector<16xf32>,
      %add3A_414 = arith.constant 0 : i32
      %add3A_415 = arith.addi %add3A_373, %add3A_414 : i32
      %add3A_416 = arith.constant 512 : i32
      %add3A_417 = arith.addi %add3A_415, %add3A_416 : i32
      %swap3A_418 = arith.index_cast %add3A_417 : i32 to index
      %swap3A_419 = tpu.vector_load %arg16[%swap3A_418] {strides = array<i32>} : memref<16384xf32, #tpu.memory_space<vmem>>, vector<16xf32>,
      tpu.vector_store %arg16[%swap3A_418], %gather3A_384 {strides = array<i32>} : memref<16384xf32, #tpu.memory_space<vmem>>, vector<16xf32>,
      %add3A_420 = arith.constant 0 : i32
      %add3A_421 = arith.addi %add3A_373, %add3A_420 : i32
      %add3A_422 = arith.constant 640 : i32
      %add3A_423 = arith.addi %add3A_421, %add3A_422 : i32
      %swap3A_424 = arith.index_cast %add3A_423 : i32 to index
      %swap3A_425 = tpu.vector_load %arg16[%swap3A_424] {strides = array<i32>} : memref<16384xf32, #tpu.memory_space<vmem>>, vector<16xf32>,
      tpu.vector_store %arg16[%swap3A_424], %gather3A_386 {strides = array<i32>} : memref<16384xf32, #tpu.memory_space<vmem>>, vector<16xf32>,
      %add3A_426 = arith.constant 0 : i32
      %add3A_427 = arith.addi %add3A_373, %add3A_426 : i32
      %add3A_428 = arith.constant 768 : i32
      %add3A_429 = arith.addi %add3A_427, %add3A_428 : i32
      %swap3A_430 = arith.index_cast %add3A_429 : i32 to index
      %swap3A_431 = tpu.vector_load %arg16[%swap3A_430] {strides = array<i32>} : memref<16384xf32, #tpu.memory_space<vmem>>, vector<16xf32>,
      tpu.vector_store %arg16[%swap3A_430], %gather3A_388 {strides = array<i32>} : memref<16384xf32, #tpu.memory_space<vmem>>, vector<16xf32>,
      %add3A_432 = arith.constant 0 : i32
      %add3A_433 = arith.addi %add3A_373, %add3A_432 : i32
      %add3A_434 = arith.constant 896 : i32
      %add3A_435 = arith.addi %add3A_433, %add3A_434 : i32
      %swap3A_436 = arith.index_cast %add3A_435 : i32 to index
      %swap3A_437 = tpu.vector_load %arg16[%swap3A_436] {strides = array<i32>} : memref<16384xf32, #tpu.memory_space<vmem>>, vector<16xf32>,
      tpu.vector_store %arg16[%swap3A_436], %gather3A_390 {strides = array<i32>} : memref<16384xf32, #tpu.memory_space<vmem>>, vector<16xf32>,
      %add3A_438 = arith.addi %add3A_389, %broadcast_in_dim3A_27 : vector<16xi32>
      %gather3A_439 = tpu.vector_load_idx %arg11[%get3A_376, %add3A_438] : memref<100x65xf32, #tpu.memory_space<vmem>>[vector<16xi32>, vector<16xi32>], vector<16xf32>,
      %add3A_440 = arith.addi %add3A_438, %broadcast_in_dim3A_27 : vector<16xi32>
      %gather3A_441 = tpu.vector_load_idx %arg11[%get3A_376, %add3A_440] : memref<100x65xf32, #tpu.memory_space<vmem>>[vector<16xi32>, vector<16xi32>], vector<16xf32>,
      %add3A_442 = arith.addi %add3A_440, %broadcast_in_dim3A_27 : vector<16xi32>
      %gather3A_443 = tpu.vector_load_idx %arg11[%get3A_376, %add3A_442] : memref<100x65xf32, #tpu.memory_space<vmem>>[vector<16xi32>, vector<16xi32>], vector<16xf32>,
      %add3A_444 = arith.addi %add3A_442, %broadcast_in_dim3A_27 : vector<16xi32>
      %gather3A_445 = tpu.vector_load_idx %arg11[%get3A_376, %add3A_444] : memref<100x65xf32, #tpu.memory_space<vmem>>[vector<16xi32>, vector<16xi32>], vector<16xf32>,
      %add3A_446 = arith.addi %add3A_444, %broadcast_in_dim3A_27 : vector<16xi32>
      %gather3A_447 = tpu.vector_load_idx %arg11[%get3A_376, %add3A_446] : memref<100x65xf32, #tpu.memory_space<vmem>>[vector<16xi32>, vector<16xi32>], vector<16xf32>,
      %add3A_448 = arith.addi %add3A_446, %broadcast_in_dim3A_27 : vector<16xi32>
      %gather3A_449 = tpu.vector_load_idx %arg11[%get3A_376, %add3A_448] : memref<100x65xf32, #tpu.memory_space<vmem>>[vector<16xi32>, vector<16xi32>], vector<16xf32>,
      %add3A_450 = arith.addi %add3A_448, %broadcast_in_dim3A_27 : vector<16xi32>
      %gather3A_451 = tpu.vector_load_idx %arg11[%get3A_376, %add3A_450] : memref<100x65xf32, #tpu.memory_space<vmem>>[vector<16xi32>, vector<16xi32>], vector<16xf32>,
      %add3A_452 = arith.addi %add3A_450, %broadcast_in_dim3A_27 : vector<16xi32>
      %gather3A_453 = tpu.vector_load_idx %arg11[%get3A_376, %add3A_452] : memref<100x65xf32, #tpu.memory_space<vmem>>[vector<16xi32>, vector<16xi32>], vector<16xf32>,
      %add3A_454 = arith.constant 4096 : i32
      %add3A_455 = arith.addi %add3A_373, %add3A_454 : i32
      %add3A_456 = arith.constant 0 : i32
      %add3A_457 = arith.addi %add3A_455, %add3A_456 : i32
      %swap3A_458 = arith.index_cast %add3A_457 : i32 to index
      %swap3A_459 = tpu.vector_load %arg16[%swap3A_458] {strides = array<i32>} : memref<16384xf32, #tpu.memory_space<vmem>>, vector<16xf32>,
      tpu.vector_store %arg16[%swap3A_458], %gather3A_439 {strides = array<i32>} : memref<16384xf32, #tpu.memory_space<vmem>>, vector<16xf32>,
      %add3A_460 = arith.constant 4096 : i32
      %add3A_461 = arith.addi %add3A_373, %add3A_460 : i32
      %add3A_462 = arith.constant 128 : i32
      %add3A_463 = arith.addi %add3A_461, %add3A_462 : i32
      %swap3A_464 = arith.index_cast %add3A_463 : i32 to index
      %swap3A_465 = tpu.vector_load %arg16[%swap3A_464] {strides = array<i32>} : memref<16384xf32, #tpu.memory_space<vmem>>, vector<16xf32>,
      tpu.vector_store %arg16[%swap3A_464], %gather3A_441 {strides = array<i32>} : memref<16384xf32, #tpu.memory_space<vmem>>, vector<16xf32>,
      %add3A_466 = arith.constant 4096 : i32
      %add3A_467 = arith.addi %add3A_373, %add3A_466 : i32
      %add3A_468 = arith.constant 256 : i32
      %add3A_469 = arith.addi %add3A_467, %add3A_468 : i32
      %swap3A_470 = arith.index_cast %add3A_469 : i32 to index
      %swap3A_471 = tpu.vector_load %arg16[%swap3A_470] {strides = array<i32>} : memref<16384xf32, #tpu.memory_space<vmem>>, vector<16xf32>,
      tpu.vector_store %arg16[%swap3A_470], %gather3A_443 {strides = array<i32>} : memref<16384xf32, #tpu.memory_space<vmem>>, vector<16xf32>,
      %add3A_472 = arith.constant 4096 : i32
      %add3A_473 = arith.addi %add3A_373, %add3A_472 : i32
      %add3A_474 = arith.constant 384 : i32
      %add3A_475 = arith.addi %add3A_473, %add3A_474 : i32
      %swap3A_476 = arith.index_cast %add3A_475 : i32 to index
      %swap3A_477 = tpu.vector_load %arg16[%swap3A_476] {strides = array<i32>} : memref<16384xf32, #tpu.memory_space<vmem>>, vector<16xf32>,
      tpu.vector_store %arg16[%swap3A_476], %gather3A_445 {strides = array<i32>} : memref<16384xf32, #tpu.memory_space<vmem>>, vector<16xf32>,
      %add3A_478 = arith.constant 4096 : i32
      %add3A_479 = arith.addi %add3A_373, %add3A_478 : i32
      %add3A_480 = arith.constant 512 : i32
      %add3A_481 = arith.addi %add3A_479, %add3A_480 : i32
      %swap3A_482 = arith.index_cast %add3A_481 : i32 to index
      %swap3A_483 = tpu.vector_load %arg16[%swap3A_482] {strides = array<i32>} : memref<16384xf32, #tpu.memory_space<vmem>>, vector<16xf32>,
      tpu.vector_store %arg16[%swap3A_482], %gather3A_447 {strides = array<i32>} : memref<16384xf32, #tpu.memory_space<vmem>>, vector<16xf32>,
      %add3A_484 = arith.constant 4096 : i32
      %add3A_485 = arith.addi %add3A_373, %add3A_484 : i32
      %add3A_486 = arith.constant 640 : i32
      %add3A_487 = arith.addi %add3A_485, %add3A_486 : i32
      %swap3A_488 = arith.index_cast %add3A_487 : i32 to index
      %swap3A_489 = tpu.vector_load %arg16[%swap3A_488] {strides = array<i32>} : memref<16384xf32, #tpu.memory_space<vmem>>, vector<16xf32>,
      tpu.vector_store %arg16[%swap3A_488], %gather3A_449 {strides = array<i32>} : memref<16384xf32, #tpu.memory_space<vmem>>, vector<16xf32>,
      %add3A_490 = arith.constant 4096 : i32
      %add3A_491 = arith.addi %add3A_373, %add3A_490 : i32
      %add3A_492 = arith.constant 768 : i32
      %add3A_493 = arith.addi %add3A_491, %add3A_492 : i32
      %swap3A_494 = arith.index_cast %add3A_493 : i32 to index
      %swap3A_495 = tpu.vector_load %arg16[%swap3A_494] {strides = array<i32>} : memref<16384xf32, #tpu.memory_space<vmem>>, vector<16xf32>,
      tpu.vector_store %arg16[%swap3A_494], %gather3A_451 {strides = array<i32>} : memref<16384xf32, #tpu.memory_space<vmem>>, vector<16xf32>,
      %add3A_496 = arith.constant 4096 : i32
      %add3A_497 = arith.addi %add3A_373, %add3A_496 : i32
      %add3A_498 = arith.constant 896 : i32
      %add3A_499 = arith.addi %add3A_497, %add3A_498 : i32
      %swap3A_500 = arith.index_cast %add3A_499 : i32 to index
      %swap3A_501 = tpu.vector_load %arg16[%swap3A_500] {strides = array<i32>} : memref<16384xf32, #tpu.memory_space<vmem>>, vector<16xf32>,
      tpu.vector_store %arg16[%swap3A_500], %gather3A_453 {strides = array<i32>} : memref<16384xf32, #tpu.memory_space<vmem>>, vector<16xf32>,
      %add3A_502 = arith.addi %add3A_452, %broadcast_in_dim3A_27 : vector<16xi32>
      %gather3A_503 = tpu.vector_load_idx %arg11[%get3A_376, %add3A_502] : memref<100x65xf32, #tpu.memory_space<vmem>>[vector<16xi32>, vector<16xi32>], vector<16xf32>,
      %add3A_504 = arith.addi %add3A_502, %broadcast_in_dim3A_27 : vector<16xi32>
      %gather3A_505 = tpu.vector_load_idx %arg11[%get3A_376, %add3A_504] : memref<100x65xf32, #tpu.memory_space<vmem>>[vector<16xi32>, vector<16xi32>], vector<16xf32>,
      %add3A_506 = arith.addi %add3A_504, %broadcast_in_dim3A_27 : vector<16xi32>
      %gather3A_507 = tpu.vector_load_idx %arg11[%get3A_376, %add3A_506] : memref<100x65xf32, #tpu.memory_space<vmem>>[vector<16xi32>, vector<16xi32>], vector<16xf32>,
      %add3A_508 = arith.addi %add3A_506, %broadcast_in_dim3A_27 : vector<16xi32>
      %gather3A_509 = tpu.vector_load_idx %arg11[%get3A_376, %add3A_508] : memref<100x65xf32, #tpu.memory_space<vmem>>[vector<16xi32>, vector<16xi32>], vector<16xf32>,
      %add3A_510 = arith.addi %add3A_508, %broadcast_in_dim3A_27 : vector<16xi32>
      %gather3A_511 = tpu.vector_load_idx %arg11[%get3A_376, %add3A_510] : memref<100x65xf32, #tpu.memory_space<vmem>>[vector<16xi32>, vector<16xi32>], vector<16xf32>,
      %add3A_512 = arith.addi %add3A_510, %broadcast_in_dim3A_27 : vector<16xi32>
      %gather3A_513 = tpu.vector_load_idx %arg11[%get3A_376, %add3A_512] : memref<100x65xf32, #tpu.memory_space<vmem>>[vector<16xi32>, vector<16xi32>], vector<16xf32>,
      %add3A_514 = arith.addi %add3A_512, %broadcast_in_dim3A_27 : vector<16xi32>
      %gather3A_515 = tpu.vector_load_idx %arg11[%get3A_376, %add3A_514] : memref<100x65xf32, #tpu.memory_space<vmem>>[vector<16xi32>, vector<16xi32>], vector<16xf32>,
      %add3A_516 = arith.addi %add3A_514, %broadcast_in_dim3A_27 : vector<16xi32>
      %gather3A_517 = tpu.vector_load_idx %arg11[%get3A_376, %add3A_516] : memref<100x65xf32, #tpu.memory_space<vmem>>[vector<16xi32>, vector<16xi32>], vector<16xf32>,
      %add3A_518 = arith.constant 8192 : i32
      %add3A_519 = arith.addi %add3A_373, %add3A_518 : i32
      %add3A_520 = arith.constant 0 : i32
      %add3A_521 = arith.addi %add3A_519, %add3A_520 : i32
      %swap3A_522 = arith.index_cast %add3A_521 : i32 to index
      %swap3A_523 = tpu.vector_load %arg16[%swap3A_522] {strides = array<i32>} : memref<16384xf32, #tpu.memory_space<vmem>>, vector<16xf32>,
      tpu.vector_store %arg16[%swap3A_522], %gather3A_503 {strides = array<i32>} : memref<16384xf32, #tpu.memory_space<vmem>>, vector<16xf32>,
      %add3A_524 = arith.constant 8192 : i32
      %add3A_525 = arith.addi %add3A_373, %add3A_524 : i32
      %add3A_526 = arith.constant 128 : i32
      %add3A_527 = arith.addi %add3A_525, %add3A_526 : i32
      %swap3A_528 = arith.index_cast %add3A_527 : i32 to index
      %swap3A_529 = tpu.vector_load %arg16[%swap3A_528] {strides = array<i32>} : memref<16384xf32, #tpu.memory_space<vmem>>, vector<16xf32>,
      tpu.vector_store %arg16[%swap3A_528], %gather3A_505 {strides = array<i32>} : memref<16384xf32, #tpu.memory_space<vmem>>, vector<16xf32>,
      %add3A_530 = arith.constant 8192 : i32
      %add3A_531 = arith.addi %add3A_373, %add3A_530 : i32
      %add3A_532 = arith.constant 256 : i32
      %add3A_533 = arith.addi %add3A_531, %add3A_532 : i32
      %swap3A_534 = arith.index_cast %add3A_533 : i32 to index
      %swap3A_535 = tpu.vector_load %arg16[%swap3A_534] {strides = array<i32>} : memref<16384xf32, #tpu.memory_space<vmem>>, vector<16xf32>,
      tpu.vector_store %arg16[%swap3A_534], %gather3A_507 {strides = array<i32>} : memref<16384xf32, #tpu.memory_space<vmem>>, vector<16xf32>,
      %add3A_536 = arith.constant 8192 : i32
      %add3A_537 = arith.addi %add3A_373, %add3A_536 : i32
      %add3A_538 = arith.constant 384 : i32
      %add3A_539 = arith.addi %add3A_537, %add3A_538 : i32
      %swap3A_540 = arith.index_cast %add3A_539 : i32 to index
      %swap3A_541 = tpu.vector_load %arg16[%swap3A_540] {strides = array<i32>} : memref<16384xf32, #tpu.memory_space<vmem>>, vector<16xf32>,
      tpu.vector_store %arg16[%swap3A_540], %gather3A_509 {strides = array<i32>} : memref<16384xf32, #tpu.memory_space<vmem>>, vector<16xf32>,
      %add3A_542 = arith.constant 8192 : i32
      %add3A_543 = arith.addi %add3A_373, %add3A_542 : i32
      %add3A_544 = arith.constant 512 : i32
      %add3A_545 = arith.addi %add3A_543, %add3A_544 : i32
      %swap3A_546 = arith.index_cast %add3A_545 : i32 to index
      %swap3A_547 = tpu.vector_load %arg16[%swap3A_546] {strides = array<i32>} : memref<16384xf32, #tpu.memory_space<vmem>>, vector<16xf32>,
      tpu.vector_store %arg16[%swap3A_546], %gather3A_511 {strides = array<i32>} : memref<16384xf32, #tpu.memory_space<vmem>>, vector<16xf32>,
      %add3A_548 = arith.constant 8192 : i32
      %add3A_549 = arith.addi %add3A_373, %add3A_548 : i32
      %add3A_550 = arith.constant 640 : i32
      %add3A_551 = arith.addi %add3A_549, %add3A_550 : i32
      %swap3A_552 = arith.index_cast %add3A_551 : i32 to index
      %swap3A_553 = tpu.vector_load %arg16[%swap3A_552] {strides = array<i32>} : memref<16384xf32, #tpu.memory_space<vmem>>, vector<16xf32>,
      tpu.vector_store %arg16[%swap3A_552], %gather3A_513 {strides = array<i32>} : memref<16384xf32, #tpu.memory_space<vmem>>, vector<16xf32>,
      %add3A_554 = arith.constant 8192 : i32
      %add3A_555 = arith.addi %add3A_373, %add3A_554 : i32
      %add3A_556 = arith.constant 768 : i32
      %add3A_557 = arith.addi %add3A_555, %add3A_556 : i32
      %swap3A_558 = arith.index_cast %add3A_557 : i32 to index
      %swap3A_559 = tpu.vector_load %arg16[%swap3A_558] {strides = array<i32>} : memref<16384xf32, #tpu.memory_space<vmem>>, vector<16xf32>,
      tpu.vector_store %arg16[%swap3A_558], %gather3A_515 {strides = array<i32>} : memref<16384xf32, #tpu.memory_space<vmem>>, vector<16xf32>,
      %add3A_560 = arith.constant 8192 : i32
      %add3A_561 = arith.addi %add3A_373, %add3A_560 : i32
      %add3A_562 = arith.constant 896 : i32
      %add3A_563 = arith.addi %add3A_561, %add3A_562 : i32
      %swap3A_564 = arith.index_cast %add3A_563 : i32 to index
      %swap3A_565 = tpu.vector_load %arg16[%swap3A_564] {strides = array<i32>} : memref<16384xf32, #tpu.memory_space<vmem>>, vector<16xf32>,
      tpu.vector_store %arg16[%swap3A_564], %gather3A_517 {strides = array<i32>} : memref<16384xf32, #tpu.memory_space<vmem>>, vector<16xf32>,
      %add3A_566 = arith.addi %add3A_516, %broadcast_in_dim3A_27 : vector<16xi32>
      %gather3A_567 = tpu.vector_load_idx %arg11[%get3A_376, %add3A_566] : memref<100x65xf32, #tpu.memory_space<vmem>>[vector<16xi32>, vector<16xi32>], vector<16xf32>,
      %add3A_568 = arith.addi %add3A_566, %broadcast_in_dim3A_27 : vector<16xi32>
      %gather3A_569 = tpu.vector_load_idx %arg11[%get3A_376, %add3A_568] : memref<100x65xf32, #tpu.memory_space<vmem>>[vector<16xi32>, vector<16xi32>], vector<16xf32>,
      %add3A_570 = arith.addi %add3A_568, %broadcast_in_dim3A_27 : vector<16xi32>
      %gather3A_571 = tpu.vector_load_idx %arg11[%get3A_376, %add3A_570] : memref<100x65xf32, #tpu.memory_space<vmem>>[vector<16xi32>, vector<16xi32>], vector<16xf32>,
      %add3A_572 = arith.addi %add3A_570, %broadcast_in_dim3A_27 : vector<16xi32>
      %gather3A_573 = tpu.vector_load_idx %arg11[%get3A_376, %add3A_572] : memref<100x65xf32, #tpu.memory_space<vmem>>[vector<16xi32>, vector<16xi32>], vector<16xf32>,
      %add3A_574 = arith.addi %add3A_572, %broadcast_in_dim3A_27 : vector<16xi32>
      %gather3A_575 = tpu.vector_load_idx %arg11[%get3A_376, %add3A_574] : memref<100x65xf32, #tpu.memory_space<vmem>>[vector<16xi32>, vector<16xi32>], vector<16xf32>,
      %add3A_576 = arith.addi %add3A_574, %broadcast_in_dim3A_27 : vector<16xi32>
      %gather3A_577 = tpu.vector_load_idx %arg11[%get3A_376, %add3A_576] : memref<100x65xf32, #tpu.memory_space<vmem>>[vector<16xi32>, vector<16xi32>], vector<16xf32>,
      %add3A_578 = arith.addi %add3A_576, %broadcast_in_dim3A_27 : vector<16xi32>
      %gather3A_579 = tpu.vector_load_idx %arg11[%get3A_376, %add3A_578] : memref<100x65xf32, #tpu.memory_space<vmem>>[vector<16xi32>, vector<16xi32>], vector<16xf32>,
      %add3A_580 = arith.addi %add3A_578, %broadcast_in_dim3A_27 : vector<16xi32>
      %gather3A_581 = tpu.vector_load_idx %arg11[%get3A_376, %add3A_580] : memref<100x65xf32, #tpu.memory_space<vmem>>[vector<16xi32>, vector<16xi32>], vector<16xf32>,
      %add3A_582 = arith.constant 12288 : i32
      %add3A_583 = arith.addi %add3A_373, %add3A_582 : i32
      %add3A_584 = arith.constant 0 : i32
      %add3A_585 = arith.addi %add3A_583, %add3A_584 : i32
      %swap3A_586 = arith.index_cast %add3A_585 : i32 to index
      %swap3A_587 = tpu.vector_load %arg16[%swap3A_586] {strides = array<i32>} : memref<16384xf32, #tpu.memory_space<vmem>>, vector<16xf32>,
      tpu.vector_store %arg16[%swap3A_586], %gather3A_567 {strides = array<i32>} : memref<16384xf32, #tpu.memory_space<vmem>>, vector<16xf32>,
      %add3A_588 = arith.constant 12288 : i32
      %add3A_589 = arith.addi %add3A_373, %add3A_588 : i32
      %add3A_590 = arith.constant 128 : i32
      %add3A_591 = arith.addi %add3A_589, %add3A_590 : i32
      %swap3A_592 = arith.index_cast %add3A_591 : i32 to index
      %swap3A_593 = tpu.vector_load %arg16[%swap3A_592] {strides = array<i32>} : memref<16384xf32, #tpu.memory_space<vmem>>, vector<16xf32>,
      tpu.vector_store %arg16[%swap3A_592], %gather3A_569 {strides = array<i32>} : memref<16384xf32, #tpu.memory_space<vmem>>, vector<16xf32>,
      %add3A_594 = arith.constant 12288 : i32
      %add3A_595 = arith.addi %add3A_373, %add3A_594 : i32
      %add3A_596 = arith.constant 256 : i32
      %add3A_597 = arith.addi %add3A_595, %add3A_596 : i32
      %swap3A_598 = arith.index_cast %add3A_597 : i32 to index
      %swap3A_599 = tpu.vector_load %arg16[%swap3A_598] {strides = array<i32>} : memref<16384xf32, #tpu.memory_space<vmem>>, vector<16xf32>,
      tpu.vector_store %arg16[%swap3A_598], %gather3A_571 {strides = array<i32>} : memref<16384xf32, #tpu.memory_space<vmem>>, vector<16xf32>,
      %add3A_600 = arith.constant 12288 : i32
      %add3A_601 = arith.addi %add3A_373, %add3A_600 : i32
      %add3A_602 = arith.constant 384 : i32
      %add3A_603 = arith.addi %add3A_601, %add3A_602 : i32
      %swap3A_604 = arith.index_cast %add3A_603 : i32 to index
      %swap3A_605 = tpu.vector_load %arg16[%swap3A_604] {strides = array<i32>} : memref<16384xf32, #tpu.memory_space<vmem>>, vector<16xf32>,
      tpu.vector_store %arg16[%swap3A_604], %gather3A_573 {strides = array<i32>} : memref<16384xf32, #tpu.memory_space<vmem>>, vector<16xf32>,
      %add3A_606 = arith.constant 12288 : i32
      %add3A_607 = arith.addi %add3A_373, %add3A_606 : i32
      %add3A_608 = arith.constant 512 : i32
      %add3A_609 = arith.addi %add3A_607, %add3A_608 : i32
      %swap3A_610 = arith.index_cast %add3A_609 : i32 to index
      %swap3A_611 = tpu.vector_load %arg16[%swap3A_610] {strides = array<i32>} : memref<16384xf32, #tpu.memory_space<vmem>>, vector<16xf32>,
      tpu.vector_store %arg16[%swap3A_610], %gather3A_575 {strides = array<i32>} : memref<16384xf32, #tpu.memory_space<vmem>>, vector<16xf32>,
      %add3A_612 = arith.constant 12288 : i32
      %add3A_613 = arith.addi %add3A_373, %add3A_612 : i32
      %add3A_614 = arith.constant 640 : i32
      %add3A_615 = arith.addi %add3A_613, %add3A_614 : i32
      %swap3A_616 = arith.index_cast %add3A_615 : i32 to index
      %swap3A_617 = tpu.vector_load %arg16[%swap3A_616] {strides = array<i32>} : memref<16384xf32, #tpu.memory_space<vmem>>, vector<16xf32>,
      tpu.vector_store %arg16[%swap3A_616], %gather3A_577 {strides = array<i32>} : memref<16384xf32, #tpu.memory_space<vmem>>, vector<16xf32>,
      %add3A_618 = arith.constant 12288 : i32
      %add3A_619 = arith.addi %add3A_373, %add3A_618 : i32
      %add3A_620 = arith.constant 768 : i32
      %add3A_621 = arith.addi %add3A_619, %add3A_620 : i32
      %swap3A_622 = arith.index_cast %add3A_621 : i32 to index
      %swap3A_623 = tpu.vector_load %arg16[%swap3A_622] {strides = array<i32>} : memref<16384xf32, #tpu.memory_space<vmem>>, vector<16xf32>,
      tpu.vector_store %arg16[%swap3A_622], %gather3A_579 {strides = array<i32>} : memref<16384xf32, #tpu.memory_space<vmem>>, vector<16xf32>,
      %add3A_624 = arith.constant 12288 : i32
      %add3A_625 = arith.addi %add3A_373, %add3A_624 : i32
      %add3A_626 = arith.constant 896 : i32
      %add3A_627 = arith.addi %add3A_625, %add3A_626 : i32
      %swap3A_628 = arith.index_cast %add3A_627 : i32 to index
      %swap3A_629 = tpu.vector_load %arg16[%swap3A_628] {strides = array<i32>} : memref<16384xf32, #tpu.memory_space<vmem>>, vector<16xf32>,
      tpu.vector_store %arg16[%swap3A_628], %gather3A_581 {strides = array<i32>} : memref<16384xf32, #tpu.memory_space<vmem>>, vector<16xf32>,
    }
    %scan3A_88 = arith.constant 32 : i32
    %mul3A_89 = arith.constant 4096 : i32
    %mul3A_90 = arith.muli %add3A, %mul3A_89 : i32
    %add3A_91 = arith.constant 524288 : i32
    %add3A_92 = arith.addi %add3A_91, %mul3A_90 : i32
    %dma_start3A_93 = arith.constant 0 : i32
    %dma_start3A_94 = tpu.memref_slice %arg16[%dma_start3A_93] : memref<16384xf32, #tpu.memory_space<vmem>> -> memref<4096xf32, #tpu.memory_space<vmem>>
    %dma_start3A_95 = tpu.memref_slice %arg7[%add3A_92] : memref<1048576xf32, #tpu.memory_space<hbm>> -> memref<4096xf32, #tpu.memory_space<hbm>>
    %dma_start3A_96 = tpu.memref_slice %arg7[%add3A_92] : memref<1048576xf32, #tpu.memory_space<hbm>> -> memref<4096xf32, #tpu.memory_space<hbm>>
    %dma_start3A_97 = arith.constant 0 : i32
    %dma_start3A_98 = tpu.memref_slice %arg16[%dma_start3A_97] : memref<16384xf32, #tpu.memory_space<vmem>> -> memref<4096xf32, #tpu.memory_space<vmem>>
    tpu.enqueue_dma source(%dma_start3A_98 : memref<4096xf32, #tpu.memory_space<vmem>>) target(%dma_start3A_96 : memref<4096xf32, #tpu.memory_space<hbm>>) target_semaphore(%arg21 : memref<!tpu.dma_semaphore, #tpu.memory_space<semaphore_mem>>)
    %mul3A_99 = arith.constant 4096 : i32
    %mul3A_100 = arith.muli %add3A, %mul3A_99 : i32
    %add3A_101 = arith.constant 655360 : i32
    %add3A_102 = arith.addi %add3A_101, %mul3A_100 : i32
    %dma_start3A_103 = arith.constant 4096 : i32
    %dma_start3A_104 = tpu.memref_slice %arg16[%dma_start3A_103] : memref<16384xf32, #tpu.memory_space<vmem>> -> memref<4096xf32, #tpu.memory_space<vmem>>
    %dma_start3A_105 = tpu.memref_slice %arg7[%add3A_102] : memref<1048576xf32, #tpu.memory_space<hbm>> -> memref<4096xf32, #tpu.memory_space<hbm>>
    %dma_start3A_106 = tpu.memref_slice %arg7[%add3A_102] : memref<1048576xf32, #tpu.memory_space<hbm>> -> memref<4096xf32, #tpu.memory_space<hbm>>
    %dma_start3A_107 = arith.constant 4096 : i32
    %dma_start3A_108 = tpu.memref_slice %arg16[%dma_start3A_107] : memref<16384xf32, #tpu.memory_space<vmem>> -> memref<4096xf32, #tpu.memory_space<vmem>>
    tpu.enqueue_dma source(%dma_start3A_108 : memref<4096xf32, #tpu.memory_space<vmem>>) target(%dma_start3A_106 : memref<4096xf32, #tpu.memory_space<hbm>>) target_semaphore(%arg21 : memref<!tpu.dma_semaphore, #tpu.memory_space<semaphore_mem>>)
    %mul3A_109 = arith.constant 4096 : i32
    %mul3A_110 = arith.muli %add3A, %mul3A_109 : i32
    %add3A_111 = arith.constant 786432 : i32
    %add3A_112 = arith.addi %add3A_111, %mul3A_110 : i32
    %dma_start3A_113 = arith.constant 8192 : i32
    %dma_start3A_114 = tpu.memref_slice %arg16[%dma_start3A_113] : memref<16384xf32, #tpu.memory_space<vmem>> -> memref<4096xf32, #tpu.memory_space<vmem>>
    %dma_start3A_115 = tpu.memref_slice %arg7[%add3A_112] : memref<1048576xf32, #tpu.memory_space<hbm>> -> memref<4096xf32, #tpu.memory_space<hbm>>
    %dma_start3A_116 = tpu.memref_slice %arg7[%add3A_112] : memref<1048576xf32, #tpu.memory_space<hbm>> -> memref<4096xf32, #tpu.memory_space<hbm>>
    %dma_start3A_117 = arith.constant 8192 : i32
    %dma_start3A_118 = tpu.memref_slice %arg16[%dma_start3A_117] : memref<16384xf32, #tpu.memory_space<vmem>> -> memref<4096xf32, #tpu.memory_space<vmem>>
    tpu.enqueue_dma source(%dma_start3A_118 : memref<4096xf32, #tpu.memory_space<vmem>>) target(%dma_start3A_116 : memref<4096xf32, #tpu.memory_space<hbm>>) target_semaphore(%arg21 : memref<!tpu.dma_semaphore, #tpu.memory_space<semaphore_mem>>)
    %mul3A_119 = arith.constant 4096 : i32
    %mul3A_120 = arith.muli %add3A, %mul3A_119 : i32
    %add3A_121 = arith.constant 917504 : i32
    %add3A_122 = arith.addi %add3A_121, %mul3A_120 : i32
    %dma_start3A_123 = arith.constant 12288 : i32
    %dma_start3A_124 = tpu.memref_slice %arg16[%dma_start3A_123] : memref<16384xf32, #tpu.memory_space<vmem>> -> memref<4096xf32, #tpu.memory_space<vmem>>
    %dma_start3A_125 = tpu.memref_slice %arg7[%add3A_122] : memref<1048576xf32, #tpu.memory_space<hbm>> -> memref<4096xf32, #tpu.memory_space<hbm>>
    %dma_start3A_126 = tpu.memref_slice %arg7[%add3A_122] : memref<1048576xf32, #tpu.memory_space<hbm>> -> memref<4096xf32, #tpu.memory_space<hbm>>
    %dma_start3A_127 = arith.constant 12288 : i32
    %dma_start3A_128 = tpu.memref_slice %arg16[%dma_start3A_127] : memref<16384xf32, #tpu.memory_space<vmem>> -> memref<4096xf32, #tpu.memory_space<vmem>>
    tpu.enqueue_dma source(%dma_start3A_128 : memref<4096xf32, #tpu.memory_space<vmem>>) target(%dma_start3A_126 : memref<4096xf32, #tpu.memory_space<hbm>>) target_semaphore(%arg21 : memref<!tpu.dma_semaphore, #tpu.memory_space<semaphore_mem>>)
    %dma_wait3A_129 = arith.constant 0 : i32
    %dma_wait3A_130 = arith.constant 0 : i32
    %dma_wait3A_131 = tpu.memref_slice %arg4[%dma_wait3A_129, %dma_wait3A_130] : memref<100x64xf32, #tpu.memory_space<hbm>> -> memref<100x64xf32, #tpu.memory_space<hbm>>
    tpu.wait_indirect_dma semaphore(%arg19 : memref<!tpu.dma_semaphore, #tpu.memory_space<semaphore_mem>>) src(%dma_wait3A_131 : memref<100x64xf32, #tpu.memory_space<hbm>>) dst(%arg13 : memref<512x64xf32, #tpu.memory_space<vmem>>)
    %dma_start3A_132 = arith.constant 0 : i32
    %dma_start3A_133 = tpu.memref_slice %arg6[%mul3A_2, %dma_start3A_132] : memref<16384x128xf32, #tpu.memory_space<hbm>> -> memref<512x64xf32, #tpu.memory_space<hbm>>
    %dma_start3A_134 = arith.constant 0 : i32
    %dma_start3A_135 = tpu.memref_slice %arg6[%mul3A_2, %dma_start3A_134] : memref<16384x128xf32, #tpu.memory_space<hbm>> -> memref<512x64xf32, #tpu.memory_space<hbm>>
    tpu.enqueue_dma source(%arg13 : memref<512x64xf32, #tpu.memory_space<vmem>>) target(%dma_start3A_135 : memref<512x64xf32, #tpu.memory_space<hbm>>) target_semaphore(%arg19 : memref<!tpu.dma_semaphore, #tpu.memory_space<semaphore_mem>>)
    %dma_wait3A_136 = arith.constant 0 : i32
    %dma_wait3A_137 = arith.constant 0 : i32
    %dma_wait3A_138 = tpu.memref_slice %arg12[%dma_wait3A_136, %dma_wait3A_137] : memref<100x65xf32, #tpu.memory_space<vmem>> -> memref<100x64xf32, #tpu.memory_space<vmem>>
    %dma_wait3A_139 = arith.constant 0 : i32
    %dma_wait3A_140 = arith.constant 0 : i32
    %dma_wait3A_141 = tpu.memref_slice %arg12[%dma_wait3A_139, %dma_wait3A_140] : memref<100x65xf32, #tpu.memory_space<vmem>> -> memref<100x64xf32, #tpu.memory_space<vmem>>
    tpu.wait_dma2 semaphore(%arg18 : memref<!tpu.dma_semaphore, #tpu.memory_space<semaphore_mem>>) src(%arg5 : memref<100x64xf32, #tpu.memory_space<hbm>>) dst(%dma_wait3A_141 : memref<100x64xf32, #tpu.memory_space<vmem>>)
    %dma_wait3A_142 = arith.constant 0 : i32
    %dma_wait3A_143 = tpu.memref_slice %arg15[%dma_wait3A_142] : memref<16384xf32, #tpu.memory_space<vmem>> -> memref<4096xf32, #tpu.memory_space<vmem>>
    %dma_wait3A_144 = tpu.memref_slice %arg7[%add3A_44] : memref<1048576xf32, #tpu.memory_space<hbm>> -> memref<4096xf32, #tpu.memory_space<hbm>>
    %dma_wait3A_145 = tpu.memref_slice %arg7[%add3A_44] : memref<1048576xf32, #tpu.memory_space<hbm>> -> memref<4096xf32, #tpu.memory_space<hbm>>
    %dma_wait3A_146 = arith.constant 0 : i32
    %dma_wait3A_147 = tpu.memref_slice %arg15[%dma_wait3A_146] : memref<16384xf32, #tpu.memory_space<vmem>> -> memref<4096xf32, #tpu.memory_space<vmem>>
    tpu.wait_dma2 semaphore(%arg21 : memref<!tpu.dma_semaphore, #tpu.memory_space<semaphore_mem>>) src(%dma_wait3A_147 : memref<4096xf32, #tpu.memory_space<vmem>>) dst(%dma_wait3A_145 : memref<4096xf32, #tpu.memory_space<hbm>>)
    %dma_wait3A_148 = arith.constant 4096 : i32
    %dma_wait3A_149 = tpu.memref_slice %arg15[%dma_wait3A_148] : memref<16384xf32, #tpu.memory_space<vmem>> -> memref<4096xf32, #tpu.memory_space<vmem>>
    %dma_wait3A_150 = tpu.memref_slice %arg7[%add3A_54] : memref<1048576xf32, #tpu.memory_space<hbm>> -> memref<4096xf32, #tpu.memory_space<hbm>>
    %dma_wait3A_151 = tpu.memref_slice %arg7[%add3A_54] : memref<1048576xf32, #tpu.memory_space<hbm>> -> memref<4096xf32, #tpu.memory_space<hbm>>
    %dma_wait3A_152 = arith.constant 4096 : i32
    %dma_wait3A_153 = tpu.memref_slice %arg15[%dma_wait3A_152] : memref<16384xf32, #tpu.memory_space<vmem>> -> memref<4096xf32, #tpu.memory_space<vmem>>
    tpu.wait_dma2 semaphore(%arg21 : memref<!tpu.dma_semaphore, #tpu.memory_space<semaphore_mem>>) src(%dma_wait3A_153 : memref<4096xf32, #tpu.memory_space<vmem>>) dst(%dma_wait3A_151 : memref<4096xf32, #tpu.memory_space<hbm>>)
    %dma_wait3A_154 = arith.constant 8192 : i32
    %dma_wait3A_155 = tpu.memref_slice %arg15[%dma_wait3A_154] : memref<16384xf32, #tpu.memory_space<vmem>> -> memref<4096xf32, #tpu.memory_space<vmem>>
    %dma_wait3A_156 = tpu.memref_slice %arg7[%add3A_64] : memref<1048576xf32, #tpu.memory_space<hbm>> -> memref<4096xf32, #tpu.memory_space<hbm>>
    %dma_wait3A_157 = tpu.memref_slice %arg7[%add3A_64] : memref<1048576xf32, #tpu.memory_space<hbm>> -> memref<4096xf32, #tpu.memory_space<hbm>>
    %dma_wait3A_158 = arith.constant 8192 : i32
    %dma_wait3A_159 = tpu.memref_slice %arg15[%dma_wait3A_158] : memref<16384xf32, #tpu.memory_space<vmem>> -> memref<4096xf32, #tpu.memory_space<vmem>>
    tpu.wait_dma2 semaphore(%arg21 : memref<!tpu.dma_semaphore, #tpu.memory_space<semaphore_mem>>) src(%dma_wait3A_159 : memref<4096xf32, #tpu.memory_space<vmem>>) dst(%dma_wait3A_157 : memref<4096xf32, #tpu.memory_space<hbm>>)
    %dma_wait3A_160 = arith.constant 12288 : i32
    %dma_wait3A_161 = tpu.memref_slice %arg15[%dma_wait3A_160] : memref<16384xf32, #tpu.memory_space<vmem>> -> memref<4096xf32, #tpu.memory_space<vmem>>
    %dma_wait3A_162 = tpu.memref_slice %arg7[%add3A_74] : memref<1048576xf32, #tpu.memory_space<hbm>> -> memref<4096xf32, #tpu.memory_space<hbm>>
    %dma_wait3A_163 = tpu.memref_slice %arg7[%add3A_74] : memref<1048576xf32, #tpu.memory_space<hbm>> -> memref<4096xf32, #tpu.memory_space<hbm>>
    %dma_wait3A_164 = arith.constant 12288 : i32
    %dma_wait3A_165 = tpu.memref_slice %arg15[%dma_wait3A_164] : memref<16384xf32, #tpu.memory_space<vmem>> -> memref<4096xf32, #tpu.memory_space<vmem>>
    tpu.wait_dma2 semaphore(%arg21 : memref<!tpu.dma_semaphore, #tpu.memory_space<semaphore_mem>>) src(%dma_wait3A_165 : memref<4096xf32, #tpu.memory_space<vmem>>) dst(%dma_wait3A_163 : memref<4096xf32, #tpu.memory_space<hbm>>)
    %broadcast_in_dim3A_166 = arith.constant 0 : i32
    %broadcast_in_dim3A_167 = vector.broadcast %broadcast_in_dim3A_166 : i32 to vector<16xi32>
    %scan3A_168 = arith.constant 0 : i32
    %scan3A_169 = arith.constant 0 : i32
    %scan3A_170 = arith.constant 32 : i32
    %scan3A_171 = arith.addi %scan3A_169, %scan3A_170 : i32
    %scan3A_172 = arith.constant 1 : i32
    scf.for %scan3A_349 = %scan3A_169 to %scan3A_171 step %scan3A_172  : i32 {
      %jit3A = arith.constant 8 : i32
      %div3A = arith.divsi %scan3A_349, %jit3A : i32
      %sign3A = arith.constant 0 : i32
      %sign3A_350 = arith.cmpi sgt, %scan3A_349, %sign3A : i32
      %sign3A_351 = arith.extui %sign3A_350 : i1 to i32
      %sign3A_352 = arith.constant 0 : i32
      %sign3A_353 = arith.cmpi slt, %scan3A_349, %sign3A_352 : i32
      %sign3A_354 = arith.extui %sign3A_353 : i1 to i32
      %sign3A_355 = arith.subi %sign3A_351, %sign3A_354 : i32
      %sign3A_356 = arith.constant 0 : i32
      %sign3A_357 = arith.cmpi sgt, %jit3A, %sign3A_356 : i32
      %sign3A_358 = arith.extui %sign3A_357 : i1 to i32
      %sign3A_359 = arith.constant 0 : i32
      %sign3A_360 = arith.cmpi slt, %jit3A, %sign3A_359 : i32
      %sign3A_361 = arith.extui %sign3A_360 : i1 to i32
      %sign3A_362 = arith.subi %sign3A_358, %sign3A_361 : i32
      %ne3A = arith.cmpi ne, %sign3A_355, %sign3A_362 : i32
      %rem3A = arith.remsi %scan3A_349, %jit3A : i32
      %ne3A_363 = arith.constant 0 : i32
      %ne3A_364 = arith.cmpi ne, %rem3A, %ne3A_363 : i32
      %and3A = arith.andi %ne3A, %ne3A_364 : i1
      %sub3A = arith.constant 1 : i32
      %sub3A_365 = arith.subi %div3A, %sub3A : i32
      %select_n3A = arith.select %and3A, %sub3A_365, %div3A : i32
      %mul3A_366 = arith.constant 8 : i32
      %mul3A_367 = arith.muli %select_n3A, %mul3A_366 : i32
      %sub3A_368 = arith.subi %scan3A_349, %mul3A_367 : i32
      %mul3A_369 = arith.constant 1024 : i32
      %mul3A_370 = arith.muli %select_n3A, %mul3A_369 : i32
      %mul3A_371 = arith.constant 16 : i32
      %mul3A_372 = arith.muli %sub3A_368, %mul3A_371 : i32
      %add3A_373 = arith.addi %mul3A_370, %mul3A_372 : i32
      %mul3A_374 = arith.constant 16 : i32
      %mul3A_375 = arith.muli %scan3A_349, %mul3A_374 : i32
      %get3A = arith.index_cast %mul3A_375 : i32 to index
      %get3A_376 = tpu.vector_load %arg10[%get3A] {strides = array<i32>} : memref<512xi32, #tpu.memory_space<vmem>>, vector<16xi32>,
      %gather3A = tpu.vector_load_idx %arg12[%get3A_376, %broadcast_in_dim3A_167] : memref<100x65xf32, #tpu.memory_space<vmem>>[vector<16xi32>, vector<16xi32>], vector<16xf32>,
      %add3A_377 = arith.addi %broadcast_in_dim3A_167, %broadcast_in_dim3A_27 : vector<16xi32>
      %gather3A_378 = tpu.vector_load_idx %arg12[%get3A_376, %add3A_377] : memref<100x65xf32, #tpu.memory_space<vmem>>[vector<16xi32>, vector<16xi32>], vector<16xf32>,
      %add3A_379 = arith.addi %add3A_377, %broadcast_in_dim3A_27 : vector<16xi32>
      %gather3A_380 = tpu.vector_load_idx %arg12[%get3A_376, %add3A_379] : memref<100x65xf32, #tpu.memory_space<vmem>>[vector<16xi32>, vector<16xi32>], vector<16xf32>,
      %add3A_381 = arith.addi %add3A_379, %broadcast_in_dim3A_27 : vector<16xi32>
      %gather3A_382 = tpu.vector_load_idx %arg12[%get3A_376, %add3A_381] : memref<100x65xf32, #tpu.memory_space<vmem>>[vector<16xi32>, vector<16xi32>], vector<16xf32>,
      %add3A_383 = arith.addi %add3A_381, %broadcast_in_dim3A_27 : vector<16xi32>
      %gather3A_384 = tpu.vector_load_idx %arg12[%get3A_376, %add3A_383] : memref<100x65xf32, #tpu.memory_space<vmem>>[vector<16xi32>, vector<16xi32>], vector<16xf32>,
      %add3A_385 = arith.addi %add3A_383, %broadcast_in_dim3A_27 : vector<16xi32>
      %gather3A_386 = tpu.vector_load_idx %arg12[%get3A_376, %add3A_385] : memref<100x65xf32, #tpu.memory_space<vmem>>[vector<16xi32>, vector<16xi32>], vector<16xf32>,
      %add3A_387 = arith.addi %add3A_385, %broadcast_in_dim3A_27 : vector<16xi32>
      %gather3A_388 = tpu.vector_load_idx %arg12[%get3A_376, %add3A_387] : memref<100x65xf32, #tpu.memory_space<vmem>>[vector<16xi32>, vector<16xi32>], vector<16xf32>,
      %add3A_389 = arith.addi %add3A_387, %broadcast_in_dim3A_27 : vector<16xi32>
      %gather3A_390 = tpu.vector_load_idx %arg12[%get3A_376, %add3A_389] : memref<100x65xf32, #tpu.memory_space<vmem>>[vector<16xi32>, vector<16xi32>], vector<16xf32>,
      %add3A_391 = arith.constant 0 : i32
      %add3A_392 = arith.addi %add3A_373, %add3A_391 : i32
      %add3A_393 = arith.constant 0 : i32
      %add3A_394 = arith.addi %add3A_392, %add3A_393 : i32
      %swap3A = arith.index_cast %add3A_394 : i32 to index
      %swap3A_395 = tpu.vector_load %arg15[%swap3A] {strides = array<i32>} : memref<16384xf32, #tpu.memory_space<vmem>>, vector<16xf32>,
      tpu.vector_store %arg15[%swap3A], %gather3A {strides = array<i32>} : memref<16384xf32, #tpu.memory_space<vmem>>, vector<16xf32>,
      %add3A_396 = arith.constant 0 : i32
      %add3A_397 = arith.addi %add3A_373, %add3A_396 : i32
      %add3A_398 = arith.constant 128 : i32
      %add3A_399 = arith.addi %add3A_397, %add3A_398 : i32
      %swap3A_400 = arith.index_cast %add3A_399 : i32 to index
      %swap3A_401 = tpu.vector_load %arg15[%swap3A_400] {strides = array<i32>} : memref<16384xf32, #tpu.memory_space<vmem>>, vector<16xf32>,
      tpu.vector_store %arg15[%swap3A_400], %gather3A_378 {strides = array<i32>} : memref<16384xf32, #tpu.memory_space<vmem>>, vector<16xf32>,
      %add3A_402 = arith.constant 0 : i32
      %add3A_403 = arith.addi %add3A_373, %add3A_402 : i32
      %add3A_404 = arith.constant 256 : i32
      %add3A_405 = arith.addi %add3A_403, %add3A_404 : i32
      %swap3A_406 = arith.index_cast %add3A_405 : i32 to index
      %swap3A_407 = tpu.vector_load %arg15[%swap3A_406] {strides = array<i32>} : memref<16384xf32, #tpu.memory_space<vmem>>, vector<16xf32>,
      tpu.vector_store %arg15[%swap3A_406], %gather3A_380 {strides = array<i32>} : memref<16384xf32, #tpu.memory_space<vmem>>, vector<16xf32>,
      %add3A_408 = arith.constant 0 : i32
      %add3A_409 = arith.addi %add3A_373, %add3A_408 : i32
      %add3A_410 = arith.constant 384 : i32
      %add3A_411 = arith.addi %add3A_409, %add3A_410 : i32
      %swap3A_412 = arith.index_cast %add3A_411 : i32 to index
      %swap3A_413 = tpu.vector_load %arg15[%swap3A_412] {strides = array<i32>} : memref<16384xf32, #tpu.memory_space<vmem>>, vector<16xf32>,
      tpu.vector_store %arg15[%swap3A_412], %gather3A_382 {strides = array<i32>} : memref<16384xf32, #tpu.memory_space<vmem>>, vector<16xf32>,
      %add3A_414 = arith.constant 0 : i32
      %add3A_415 = arith.addi %add3A_373, %add3A_414 : i32
      %add3A_416 = arith.constant 512 : i32
      %add3A_417 = arith.addi %add3A_415, %add3A_416 : i32
      %swap3A_418 = arith.index_cast %add3A_417 : i32 to index
      %swap3A_419 = tpu.vector_load %arg15[%swap3A_418] {strides = array<i32>} : memref<16384xf32, #tpu.memory_space<vmem>>, vector<16xf32>,
      tpu.vector_store %arg15[%swap3A_418], %gather3A_384 {strides = array<i32>} : memref<16384xf32, #tpu.memory_space<vmem>>, vector<16xf32>,
      %add3A_420 = arith.constant 0 : i32
      %add3A_421 = arith.addi %add3A_373, %add3A_420 : i32
      %add3A_422 = arith.constant 640 : i32
      %add3A_423 = arith.addi %add3A_421, %add3A_422 : i32
      %swap3A_424 = arith.index_cast %add3A_423 : i32 to index
      %swap3A_425 = tpu.vector_load %arg15[%swap3A_424] {strides = array<i32>} : memref<16384xf32, #tpu.memory_space<vmem>>, vector<16xf32>,
      tpu.vector_store %arg15[%swap3A_424], %gather3A_386 {strides = array<i32>} : memref<16384xf32, #tpu.memory_space<vmem>>, vector<16xf32>,
      %add3A_426 = arith.constant 0 : i32
      %add3A_427 = arith.addi %add3A_373, %add3A_426 : i32
      %add3A_428 = arith.constant 768 : i32
      %add3A_429 = arith.addi %add3A_427, %add3A_428 : i32
      %swap3A_430 = arith.index_cast %add3A_429 : i32 to index
      %swap3A_431 = tpu.vector_load %arg15[%swap3A_430] {strides = array<i32>} : memref<16384xf32, #tpu.memory_space<vmem>>, vector<16xf32>,
      tpu.vector_store %arg15[%swap3A_430], %gather3A_388 {strides = array<i32>} : memref<16384xf32, #tpu.memory_space<vmem>>, vector<16xf32>,
      %add3A_432 = arith.constant 0 : i32
      %add3A_433 = arith.addi %add3A_373, %add3A_432 : i32
      %add3A_434 = arith.constant 896 : i32
      %add3A_435 = arith.addi %add3A_433, %add3A_434 : i32
      %swap3A_436 = arith.index_cast %add3A_435 : i32 to index
      %swap3A_437 = tpu.vector_load %arg15[%swap3A_436] {strides = array<i32>} : memref<16384xf32, #tpu.memory_space<vmem>>, vector<16xf32>,
      tpu.vector_store %arg15[%swap3A_436], %gather3A_390 {strides = array<i32>} : memref<16384xf32, #tpu.memory_space<vmem>>, vector<16xf32>,
      %add3A_438 = arith.addi %add3A_389, %broadcast_in_dim3A_27 : vector<16xi32>
      %gather3A_439 = tpu.vector_load_idx %arg12[%get3A_376, %add3A_438] : memref<100x65xf32, #tpu.memory_space<vmem>>[vector<16xi32>, vector<16xi32>], vector<16xf32>,
      %add3A_440 = arith.addi %add3A_438, %broadcast_in_dim3A_27 : vector<16xi32>
      %gather3A_441 = tpu.vector_load_idx %arg12[%get3A_376, %add3A_440] : memref<100x65xf32, #tpu.memory_space<vmem>>[vector<16xi32>, vector<16xi32>], vector<16xf32>,
      %add3A_442 = arith.addi %add3A_440, %broadcast_in_dim3A_27 : vector<16xi32>
      %gather3A_443 = tpu.vector_load_idx %arg12[%get3A_376, %add3A_442] : memref<100x65xf32, #tpu.memory_space<vmem>>[vector<16xi32>, vector<16xi32>], vector<16xf32>,
      %add3A_444 = arith.addi %add3A_442, %broadcast_in_dim3A_27 : vector<16xi32>
      %gather3A_445 = tpu.vector_load_idx %arg12[%get3A_376, %add3A_444] : memref<100x65xf32, #tpu.memory_space<vmem>>[vector<16xi32>, vector<16xi32>], vector<16xf32>,
      %add3A_446 = arith.addi %add3A_444, %broadcast_in_dim3A_27 : vector<16xi32>
      %gather3A_447 = tpu.vector_load_idx %arg12[%get3A_376, %add3A_446] : memref<100x65xf32, #tpu.memory_space<vmem>>[vector<16xi32>, vector<16xi32>], vector<16xf32>,
      %add3A_448 = arith.addi %add3A_446, %broadcast_in_dim3A_27 : vector<16xi32>
      %gather3A_449 = tpu.vector_load_idx %arg12[%get3A_376, %add3A_448] : memref<100x65xf32, #tpu.memory_space<vmem>>[vector<16xi32>, vector<16xi32>], vector<16xf32>,
      %add3A_450 = arith.addi %add3A_448, %broadcast_in_dim3A_27 : vector<16xi32>
      %gather3A_451 = tpu.vector_load_idx %arg12[%get3A_376, %add3A_450] : memref<100x65xf32, #tpu.memory_space<vmem>>[vector<16xi32>, vector<16xi32>], vector<16xf32>,
      %add3A_452 = arith.addi %add3A_450, %broadcast_in_dim3A_27 : vector<16xi32>
      %gather3A_453 = tpu.vector_load_idx %arg12[%get3A_376, %add3A_452] : memref<100x65xf32, #tpu.memory_space<vmem>>[vector<16xi32>, vector<16xi32>], vector<16xf32>,
      %add3A_454 = arith.constant 4096 : i32
      %add3A_455 = arith.addi %add3A_373, %add3A_454 : i32
      %add3A_456 = arith.constant 0 : i32
      %add3A_457 = arith.addi %add3A_455, %add3A_456 : i32
      %swap3A_458 = arith.index_cast %add3A_457 : i32 to index
      %swap3A_459 = tpu.vector_load %arg15[%swap3A_458] {strides = array<i32>} : memref<16384xf32, #tpu.memory_space<vmem>>, vector<16xf32>,
      tpu.vector_store %arg15[%swap3A_458], %gather3A_439 {strides = array<i32>} : memref<16384xf32, #tpu.memory_space<vmem>>, vector<16xf32>,
      %add3A_460 = arith.constant 4096 : i32
      %add3A_461 = arith.addi %add3A_373, %add3A_460 : i32
      %add3A_462 = arith.constant 128 : i32
      %add3A_463 = arith.addi %add3A_461, %add3A_462 : i32
      %swap3A_464 = arith.index_cast %add3A_463 : i32 to index
      %swap3A_465 = tpu.vector_load %arg15[%swap3A_464] {strides = array<i32>} : memref<16384xf32, #tpu.memory_space<vmem>>, vector<16xf32>,
      tpu.vector_store %arg15[%swap3A_464], %gather3A_441 {strides = array<i32>} : memref<16384xf32, #tpu.memory_space<vmem>>, vector<16xf32>,
      %add3A_466 = arith.constant 4096 : i32
      %add3A_467 = arith.addi %add3A_373, %add3A_466 : i32
      %add3A_468 = arith.constant 256 : i32
      %add3A_469 = arith.addi %add3A_467, %add3A_468 : i32
      %swap3A_470 = arith.index_cast %add3A_469 : i32 to index
      %swap3A_471 = tpu.vector_load %arg15[%swap3A_470] {strides = array<i32>} : memref<16384xf32, #tpu.memory_space<vmem>>, vector<16xf32>,
      tpu.vector_store %arg15[%swap3A_470], %gather3A_443 {strides = array<i32>} : memref<16384xf32, #tpu.memory_space<vmem>>, vector<16xf32>,
      %add3A_472 = arith.constant 4096 : i32
      %add3A_473 = arith.addi %add3A_373, %add3A_472 : i32
      %add3A_474 = arith.constant 384 : i32
      %add3A_475 = arith.addi %add3A_473, %add3A_474 : i32
      %swap3A_476 = arith.index_cast %add3A_475 : i32 to index
      %swap3A_477 = tpu.vector_load %arg15[%swap3A_476] {strides = array<i32>} : memref<16384xf32, #tpu.memory_space<vmem>>, vector<16xf32>,
      tpu.vector_store %arg15[%swap3A_476], %gather3A_445 {strides = array<i32>} : memref<16384xf32, #tpu.memory_space<vmem>>, vector<16xf32>,
      %add3A_478 = arith.constant 4096 : i32
      %add3A_479 = arith.addi %add3A_373, %add3A_478 : i32
      %add3A_480 = arith.constant 512 : i32
      %add3A_481 = arith.addi %add3A_479, %add3A_480 : i32
      %swap3A_482 = arith.index_cast %add3A_481 : i32 to index
      %swap3A_483 = tpu.vector_load %arg15[%swap3A_482] {strides = array<i32>} : memref<16384xf32, #tpu.memory_space<vmem>>, vector<16xf32>,
      tpu.vector_store %arg15[%swap3A_482], %gather3A_447 {strides = array<i32>} : memref<16384xf32, #tpu.memory_space<vmem>>, vector<16xf32>,
      %add3A_484 = arith.constant 4096 : i32
      %add3A_485 = arith.addi %add3A_373, %add3A_484 : i32
      %add3A_486 = arith.constant 640 : i32
      %add3A_487 = arith.addi %add3A_485, %add3A_486 : i32
      %swap3A_488 = arith.index_cast %add3A_487 : i32 to index
      %swap3A_489 = tpu.vector_load %arg15[%swap3A_488] {strides = array<i32>} : memref<16384xf32, #tpu.memory_space<vmem>>, vector<16xf32>,
      tpu.vector_store %arg15[%swap3A_488], %gather3A_449 {strides = array<i32>} : memref<16384xf32, #tpu.memory_space<vmem>>, vector<16xf32>,
      %add3A_490 = arith.constant 4096 : i32
      %add3A_491 = arith.addi %add3A_373, %add3A_490 : i32
      %add3A_492 = arith.constant 768 : i32
      %add3A_493 = arith.addi %add3A_491, %add3A_492 : i32
      %swap3A_494 = arith.index_cast %add3A_493 : i32 to index
      %swap3A_495 = tpu.vector_load %arg15[%swap3A_494] {strides = array<i32>} : memref<16384xf32, #tpu.memory_space<vmem>>, vector<16xf32>,
      tpu.vector_store %arg15[%swap3A_494], %gather3A_451 {strides = array<i32>} : memref<16384xf32, #tpu.memory_space<vmem>>, vector<16xf32>,
      %add3A_496 = arith.constant 4096 : i32
      %add3A_497 = arith.addi %add3A_373, %add3A_496 : i32
      %add3A_498 = arith.constant 896 : i32
      %add3A_499 = arith.addi %add3A_497, %add3A_498 : i32
      %swap3A_500 = arith.index_cast %add3A_499 : i32 to index
      %swap3A_501 = tpu.vector_load %arg15[%swap3A_500] {strides = array<i32>} : memref<16384xf32, #tpu.memory_space<vmem>>, vector<16xf32>,
      tpu.vector_store %arg15[%swap3A_500], %gather3A_453 {strides = array<i32>} : memref<16384xf32, #tpu.memory_space<vmem>>, vector<16xf32>,
      %add3A_502 = arith.addi %add3A_452, %broadcast_in_dim3A_27 : vector<16xi32>
      %gather3A_503 = tpu.vector_load_idx %arg12[%get3A_376, %add3A_502] : memref<100x65xf32, #tpu.memory_space<vmem>>[vector<16xi32>, vector<16xi32>], vector<16xf32>,
      %add3A_504 = arith.addi %add3A_502, %broadcast_in_dim3A_27 : vector<16xi32>
      %gather3A_505 = tpu.vector_load_idx %arg12[%get3A_376, %add3A_504] : memref<100x65xf32, #tpu.memory_space<vmem>>[vector<16xi32>, vector<16xi32>], vector<16xf32>,
      %add3A_506 = arith.addi %add3A_504, %broadcast_in_dim3A_27 : vector<16xi32>
      %gather3A_507 = tpu.vector_load_idx %arg12[%get3A_376, %add3A_506] : memref<100x65xf32, #tpu.memory_space<vmem>>[vector<16xi32>, vector<16xi32>], vector<16xf32>,
      %add3A_508 = arith.addi %add3A_506, %broadcast_in_dim3A_27 : vector<16xi32>
      %gather3A_509 = tpu.vector_load_idx %arg12[%get3A_376, %add3A_508] : memref<100x65xf32, #tpu.memory_space<vmem>>[vector<16xi32>, vector<16xi32>], vector<16xf32>,
      %add3A_510 = arith.addi %add3A_508, %broadcast_in_dim3A_27 : vector<16xi32>
      %gather3A_511 = tpu.vector_load_idx %arg12[%get3A_376, %add3A_510] : memref<100x65xf32, #tpu.memory_space<vmem>>[vector<16xi32>, vector<16xi32>], vector<16xf32>,
      %add3A_512 = arith.addi %add3A_510, %broadcast_in_dim3A_27 : vector<16xi32>
      %gather3A_513 = tpu.vector_load_idx %arg12[%get3A_376, %add3A_512] : memref<100x65xf32, #tpu.memory_space<vmem>>[vector<16xi32>, vector<16xi32>], vector<16xf32>,
      %add3A_514 = arith.addi %add3A_512, %broadcast_in_dim3A_27 : vector<16xi32>
      %gather3A_515 = tpu.vector_load_idx %arg12[%get3A_376, %add3A_514] : memref<100x65xf32, #tpu.memory_space<vmem>>[vector<16xi32>, vector<16xi32>], vector<16xf32>,
      %add3A_516 = arith.addi %add3A_514, %broadcast_in_dim3A_27 : vector<16xi32>
      %gather3A_517 = tpu.vector_load_idx %arg12[%get3A_376, %add3A_516] : memref<100x65xf32, #tpu.memory_space<vmem>>[vector<16xi32>, vector<16xi32>], vector<16xf32>,
      %add3A_518 = arith.constant 8192 : i32
      %add3A_519 = arith.addi %add3A_373, %add3A_518 : i32
      %add3A_520 = arith.constant 0 : i32
      %add3A_521 = arith.addi %add3A_519, %add3A_520 : i32
      %swap3A_522 = arith.index_cast %add3A_521 : i32 to index
      %swap3A_523 = tpu.vector_load %arg15[%swap3A_522] {strides = array<i32>} : memref<16384xf32, #tpu.memory_space<vmem>>, vector<16xf32>,
      tpu.vector_store %arg15[%swap3A_522], %gather3A_503 {strides = array<i32>} : memref<16384xf32, #tpu.memory_space<vmem>>, vector<16xf32>,
      %add3A_524 = arith.constant 8192 : i32
      %add3A_525 = arith.addi %add3A_373, %add3A_524 : i32
      %add3A_526 = arith.constant 128 : i32
      %add3A_527 = arith.addi %add3A_525, %add3A_526 : i32
      %swap3A_528 = arith.index_cast %add3A_527 : i32 to index
      %swap3A_529 = tpu.vector_load %arg15[%swap3A_528] {strides = array<i32>} : memref<16384xf32, #tpu.memory_space<vmem>>, vector<16xf32>,
      tpu.vector_store %arg15[%swap3A_528], %gather3A_505 {strides = array<i32>} : memref<16384xf32, #tpu.memory_space<vmem>>, vector<16xf32>,
      %add3A_530 = arith.constant 8192 : i32
      %add3A_531 = arith.addi %add3A_373, %add3A_530 : i32
      %add3A_532 = arith.constant 256 : i32
      %add3A_533 = arith.addi %add3A_531, %add3A_532 : i32
      %swap3A_534 = arith.index_cast %add3A_533 : i32 to index
      %swap3A_535 = tpu.vector_load %arg15[%swap3A_534] {strides = array<i32>} : memref<16384xf32, #tpu.memory_space<vmem>>, vector<16xf32>,
      tpu.vector_store %arg15[%swap3A_534], %gather3A_507 {strides = array<i32>} : memref<16384xf32, #tpu.memory_space<vmem>>, vector<16xf32>,
      %add3A_536 = arith.constant 8192 : i32
      %add3A_537 = arith.addi %add3A_373, %add3A_536 : i32
      %add3A_538 = arith.constant 384 : i32
      %add3A_539 = arith.addi %add3A_537, %add3A_538 : i32
      %swap3A_540 = arith.index_cast %add3A_539 : i32 to index
      %swap3A_541 = tpu.vector_load %arg15[%swap3A_540] {strides = array<i32>} : memref<16384xf32, #tpu.memory_space<vmem>>, vector<16xf32>,
      tpu.vector_store %arg15[%swap3A_540], %gather3A_509 {strides = array<i32>} : memref<16384xf32, #tpu.memory_space<vmem>>, vector<16xf32>,
      %add3A_542 = arith.constant 8192 : i32
      %add3A_543 = arith.addi %add3A_373, %add3A_542 : i32
      %add3A_544 = arith.constant 512 : i32
      %add3A_545 = arith.addi %add3A_543, %add3A_544 : i32
      %swap3A_546 = arith.index_cast %add3A_545 : i32 to index
      %swap3A_547 = tpu.vector_load %arg15[%swap3A_546] {strides = array<i32>} : memref<16384xf32, #tpu.memory_space<vmem>>, vector<16xf32>,
      tpu.vector_store %arg15[%swap3A_546], %gather3A_511 {strides = array<i32>} : memref<16384xf32, #tpu.memory_space<vmem>>, vector<16xf32>,
      %add3A_548 = arith.constant 8192 : i32
      %add3A_549 = arith.addi %add3A_373, %add3A_548 : i32
      %add3A_550 = arith.constant 640 : i32
      %add3A_551 = arith.addi %add3A_549, %add3A_550 : i32
      %swap3A_552 = arith.index_cast %add3A_551 : i32 to index
      %swap3A_553 = tpu.vector_load %arg15[%swap3A_552] {strides = array<i32>} : memref<16384xf32, #tpu.memory_space<vmem>>, vector<16xf32>,
      tpu.vector_store %arg15[%swap3A_552], %gather3A_513 {strides = array<i32>} : memref<16384xf32, #tpu.memory_space<vmem>>, vector<16xf32>,
      %add3A_554 = arith.constant 8192 : i32
      %add3A_555 = arith.addi %add3A_373, %add3A_554 : i32
      %add3A_556 = arith.constant 768 : i32
      %add3A_557 = arith.addi %add3A_555, %add3A_556 : i32
      %swap3A_558 = arith.index_cast %add3A_557 : i32 to index
      %swap3A_559 = tpu.vector_load %arg15[%swap3A_558] {strides = array<i32>} : memref<16384xf32, #tpu.memory_space<vmem>>, vector<16xf32>,
      tpu.vector_store %arg15[%swap3A_558], %gather3A_515 {strides = array<i32>} : memref<16384xf32, #tpu.memory_space<vmem>>, vector<16xf32>,
      %add3A_560 = arith.constant 8192 : i32
      %add3A_561 = arith.addi %add3A_373, %add3A_560 : i32
      %add3A_562 = arith.constant 896 : i32
      %add3A_563 = arith.addi %add3A_561, %add3A_562 : i32
      %swap3A_564 = arith.index_cast %add3A_563 : i32 to index
      %swap3A_565 = tpu.vector_load %arg15[%swap3A_564] {strides = array<i32>} : memref<16384xf32, #tpu.memory_space<vmem>>, vector<16xf32>,
      tpu.vector_store %arg15[%swap3A_564], %gather3A_517 {strides = array<i32>} : memref<16384xf32, #tpu.memory_space<vmem>>, vector<16xf32>,
      %add3A_566 = arith.addi %add3A_516, %broadcast_in_dim3A_27 : vector<16xi32>
      %gather3A_567 = tpu.vector_load_idx %arg12[%get3A_376, %add3A_566] : memref<100x65xf32, #tpu.memory_space<vmem>>[vector<16xi32>, vector<16xi32>], vector<16xf32>,
      %add3A_568 = arith.addi %add3A_566, %broadcast_in_dim3A_27 : vector<16xi32>
      %gather3A_569 = tpu.vector_load_idx %arg12[%get3A_376, %add3A_568] : memref<100x65xf32, #tpu.memory_space<vmem>>[vector<16xi32>, vector<16xi32>], vector<16xf32>,
      %add3A_570 = arith.addi %add3A_568, %broadcast_in_dim3A_27 : vector<16xi32>
      %gather3A_571 = tpu.vector_load_idx %arg12[%get3A_376, %add3A_570] : memref<100x65xf32, #tpu.memory_space<vmem>>[vector<16xi32>, vector<16xi32>], vector<16xf32>,
      %add3A_572 = arith.addi %add3A_570, %broadcast_in_dim3A_27 : vector<16xi32>
      %gather3A_573 = tpu.vector_load_idx %arg12[%get3A_376, %add3A_572] : memref<100x65xf32, #tpu.memory_space<vmem>>[vector<16xi32>, vector<16xi32>], vector<16xf32>,
      %add3A_574 = arith.addi %add3A_572, %broadcast_in_dim3A_27 : vector<16xi32>
      %gather3A_575 = tpu.vector_load_idx %arg12[%get3A_376, %add3A_574] : memref<100x65xf32, #tpu.memory_space<vmem>>[vector<16xi32>, vector<16xi32>], vector<16xf32>,
      %add3A_576 = arith.addi %add3A_574, %broadcast_in_dim3A_27 : vector<16xi32>
      %gather3A_577 = tpu.vector_load_idx %arg12[%get3A_376, %add3A_576] : memref<100x65xf32, #tpu.memory_space<vmem>>[vector<16xi32>, vector<16xi32>], vector<16xf32>,
      %add3A_578 = arith.addi %add3A_576, %broadcast_in_dim3A_27 : vector<16xi32>
      %gather3A_579 = tpu.vector_load_idx %arg12[%get3A_376, %add3A_578] : memref<100x65xf32, #tpu.memory_space<vmem>>[vector<16xi32>, vector<16xi32>], vector<16xf32>,
      %add3A_580 = arith.addi %add3A_578, %broadcast_in_dim3A_27 : vector<16xi32>
      %gather3A_581 = tpu.vector_load_idx %arg12[%get3A_376, %add3A_580] : memref<100x65xf32, #tpu.memory_space<vmem>>[vector<16xi32>, vector<16xi32>], vector<16xf32>,
      %add3A_582 = arith.constant 12288 : i32
      %add3A_583 = arith.addi %add3A_373, %add3A_582 : i32
      %add3A_584 = arith.constant 0 : i32
      %add3A_585 = arith.addi %add3A_583, %add3A_584 : i32
      %swap3A_586 = arith.index_cast %add3A_585 : i32 to index
      %swap3A_587 = tpu.vector_load %arg15[%swap3A_586] {strides = array<i32>} : memref<16384xf32, #tpu.memory_space<vmem>>, vector<16xf32>,
      tpu.vector_store %arg15[%swap3A_586], %gather3A_567 {strides = array<i32>} : memref<16384xf32, #tpu.memory_space<vmem>>, vector<16xf32>,
      %add3A_588 = arith.constant 12288 : i32
      %add3A_589 = arith.addi %add3A_373, %add3A_588 : i32
      %add3A_590 = arith.constant 128 : i32
      %add3A_591 = arith.addi %add3A_589, %add3A_590 : i32
      %swap3A_592 = arith.index_cast %add3A_591 : i32 to index
      %swap3A_593 = tpu.vector_load %arg15[%swap3A_592] {strides = array<i32>} : memref<16384xf32, #tpu.memory_space<vmem>>, vector<16xf32>,
      tpu.vector_store %arg15[%swap3A_592], %gather3A_569 {strides = array<i32>} : memref<16384xf32, #tpu.memory_space<vmem>>, vector<16xf32>,
      %add3A_594 = arith.constant 12288 : i32
      %add3A_595 = arith.addi %add3A_373, %add3A_594 : i32
      %add3A_596 = arith.constant 256 : i32
      %add3A_597 = arith.addi %add3A_595, %add3A_596 : i32
      %swap3A_598 = arith.index_cast %add3A_597 : i32 to index
      %swap3A_599 = tpu.vector_load %arg15[%swap3A_598] {strides = array<i32>} : memref<16384xf32, #tpu.memory_space<vmem>>, vector<16xf32>,
      tpu.vector_store %arg15[%swap3A_598], %gather3A_571 {strides = array<i32>} : memref<16384xf32, #tpu.memory_space<vmem>>, vector<16xf32>,
      %add3A_600 = arith.constant 12288 : i32
      %add3A_601 = arith.addi %add3A_373, %add3A_600 : i32
      %add3A_602 = arith.constant 384 : i32
      %add3A_603 = arith.addi %add3A_601, %add3A_602 : i32
      %swap3A_604 = arith.index_cast %add3A_603 : i32 to index
      %swap3A_605 = tpu.vector_load %arg15[%swap3A_604] {strides = array<i32>} : memref<16384xf32, #tpu.memory_space<vmem>>, vector<16xf32>,
      tpu.vector_store %arg15[%swap3A_604], %gather3A_573 {strides = array<i32>} : memref<16384xf32, #tpu.memory_space<vmem>>, vector<16xf32>,
      %add3A_606 = arith.constant 12288 : i32
      %add3A_607 = arith.addi %add3A_373, %add3A_606 : i32
      %add3A_608 = arith.constant 512 : i32
      %add3A_609 = arith.addi %add3A_607, %add3A_608 : i32
      %swap3A_610 = arith.index_cast %add3A_609 : i32 to index
      %swap3A_611 = tpu.vector_load %arg15[%swap3A_610] {strides = array<i32>} : memref<16384xf32, #tpu.memory_space<vmem>>, vector<16xf32>,
      tpu.vector_store %arg15[%swap3A_610], %gather3A_575 {strides = array<i32>} : memref<16384xf32, #tpu.memory_space<vmem>>, vector<16xf32>,
      %add3A_612 = arith.constant 12288 : i32
      %add3A_613 = arith.addi %add3A_373, %add3A_612 : i32
      %add3A_614 = arith.constant 640 : i32
      %add3A_615 = arith.addi %add3A_613, %add3A_614 : i32
      %swap3A_616 = arith.index_cast %add3A_615 : i32 to index
      %swap3A_617 = tpu.vector_load %arg15[%swap3A_616] {strides = array<i32>} : memref<16384xf32, #tpu.memory_space<vmem>>, vector<16xf32>,
      tpu.vector_store %arg15[%swap3A_616], %gather3A_577 {strides = array<i32>} : memref<16384xf32, #tpu.memory_space<vmem>>, vector<16xf32>,
      %add3A_618 = arith.constant 12288 : i32
      %add3A_619 = arith.addi %add3A_373, %add3A_618 : i32
      %add3A_620 = arith.constant 768 : i32
      %add3A_621 = arith.addi %add3A_619, %add3A_620 : i32
      %swap3A_622 = arith.index_cast %add3A_621 : i32 to index
      %swap3A_623 = tpu.vector_load %arg15[%swap3A_622] {strides = array<i32>} : memref<16384xf32, #tpu.memory_space<vmem>>, vector<16xf32>,
      tpu.vector_store %arg15[%swap3A_622], %gather3A_579 {strides = array<i32>} : memref<16384xf32, #tpu.memory_space<vmem>>, vector<16xf32>,
      %add3A_624 = arith.constant 12288 : i32
      %add3A_625 = arith.addi %add3A_373, %add3A_624 : i32
      %add3A_626 = arith.constant 896 : i32
      %add3A_627 = arith.addi %add3A_625, %add3A_626 : i32
      %swap3A_628 = arith.index_cast %add3A_627 : i32 to index
      %swap3A_629 = tpu.vector_load %arg15[%swap3A_628] {strides = array<i32>} : memref<16384xf32, #tpu.memory_space<vmem>>, vector<16xf32>,
      tpu.vector_store %arg15[%swap3A_628], %gather3A_581 {strides = array<i32>} : memref<16384xf32, #tpu.memory_space<vmem>>, vector<16xf32>,
    }
    %scan3A_173 = arith.constant 32 : i32
    %mul3A_174 = arith.constant 4096 : i32
    %mul3A_175 = arith.muli %add3A, %mul3A_174 : i32
    %add3A_176 = arith.constant 0 : i32
    %add3A_177 = arith.addi %add3A_176, %mul3A_175 : i32
    %dma_start3A_178 = arith.constant 0 : i32
    %dma_start3A_179 = tpu.memref_slice %arg15[%dma_start3A_178] : memref<16384xf32, #tpu.memory_space<vmem>> -> memref<4096xf32, #tpu.memory_space<vmem>>
    %dma_start3A_180 = tpu.memref_slice %arg8[%add3A_177] : memref<1048576xf32, #tpu.memory_space<hbm>> -> memref<4096xf32, #tpu.memory_space<hbm>>
    %dma_start3A_181 = tpu.memref_slice %arg8[%add3A_177] : memref<1048576xf32, #tpu.memory_space<hbm>> -> memref<4096xf32, #tpu.memory_space<hbm>>
    %dma_start3A_182 = arith.constant 0 : i32
    %dma_start3A_183 = tpu.memref_slice %arg15[%dma_start3A_182] : memref<16384xf32, #tpu.memory_space<vmem>> -> memref<4096xf32, #tpu.memory_space<vmem>>
    tpu.enqueue_dma source(%dma_start3A_183 : memref<4096xf32, #tpu.memory_space<vmem>>) target(%dma_start3A_181 : memref<4096xf32, #tpu.memory_space<hbm>>) target_semaphore(%arg21 : memref<!tpu.dma_semaphore, #tpu.memory_space<semaphore_mem>>)
    %mul3A_184 = arith.constant 4096 : i32
    %mul3A_185 = arith.muli %add3A, %mul3A_184 : i32
    %add3A_186 = arith.constant 131072 : i32
    %add3A_187 = arith.addi %add3A_186, %mul3A_185 : i32
    %dma_start3A_188 = arith.constant 4096 : i32
    %dma_start3A_189 = tpu.memref_slice %arg15[%dma_start3A_188] : memref<16384xf32, #tpu.memory_space<vmem>> -> memref<4096xf32, #tpu.memory_space<vmem>>
    %dma_start3A_190 = tpu.memref_slice %arg8[%add3A_187] : memref<1048576xf32, #tpu.memory_space<hbm>> -> memref<4096xf32, #tpu.memory_space<hbm>>
    %dma_start3A_191 = tpu.memref_slice %arg8[%add3A_187] : memref<1048576xf32, #tpu.memory_space<hbm>> -> memref<4096xf32, #tpu.memory_space<hbm>>
    %dma_start3A_192 = arith.constant 4096 : i32
    %dma_start3A_193 = tpu.memref_slice %arg15[%dma_start3A_192] : memref<16384xf32, #tpu.memory_space<vmem>> -> memref<4096xf32, #tpu.memory_space<vmem>>
    tpu.enqueue_dma source(%dma_start3A_193 : memref<4096xf32, #tpu.memory_space<vmem>>) target(%dma_start3A_191 : memref<4096xf32, #tpu.memory_space<hbm>>) target_semaphore(%arg21 : memref<!tpu.dma_semaphore, #tpu.memory_space<semaphore_mem>>)
    %mul3A_194 = arith.constant 4096 : i32
    %mul3A_195 = arith.muli %add3A, %mul3A_194 : i32
    %add3A_196 = arith.constant 262144 : i32
    %add3A_197 = arith.addi %add3A_196, %mul3A_195 : i32
    %dma_start3A_198 = arith.constant 8192 : i32
    %dma_start3A_199 = tpu.memref_slice %arg15[%dma_start3A_198] : memref<16384xf32, #tpu.memory_space<vmem>> -> memref<4096xf32, #tpu.memory_space<vmem>>
    %dma_start3A_200 = tpu.memref_slice %arg8[%add3A_197] : memref<1048576xf32, #tpu.memory_space<hbm>> -> memref<4096xf32, #tpu.memory_space<hbm>>
    %dma_start3A_201 = tpu.memref_slice %arg8[%add3A_197] : memref<1048576xf32, #tpu.memory_space<hbm>> -> memref<4096xf32, #tpu.memory_space<hbm>>
    %dma_start3A_202 = arith.constant 8192 : i32
    %dma_start3A_203 = tpu.memref_slice %arg15[%dma_start3A_202] : memref<16384xf32, #tpu.memory_space<vmem>> -> memref<4096xf32, #tpu.memory_space<vmem>>
    tpu.enqueue_dma source(%dma_start3A_203 : memref<4096xf32, #tpu.memory_space<vmem>>) target(%dma_start3A_201 : memref<4096xf32, #tpu.memory_space<hbm>>) target_semaphore(%arg21 : memref<!tpu.dma_semaphore, #tpu.memory_space<semaphore_mem>>)
    %mul3A_204 = arith.constant 4096 : i32
    %mul3A_205 = arith.muli %add3A, %mul3A_204 : i32
    %add3A_206 = arith.constant 393216 : i32
    %add3A_207 = arith.addi %add3A_206, %mul3A_205 : i32
    %dma_start3A_208 = arith.constant 12288 : i32
    %dma_start3A_209 = tpu.memref_slice %arg15[%dma_start3A_208] : memref<16384xf32, #tpu.memory_space<vmem>> -> memref<4096xf32, #tpu.memory_space<vmem>>
    %dma_start3A_210 = tpu.memref_slice %arg8[%add3A_207] : memref<1048576xf32, #tpu.memory_space<hbm>> -> memref<4096xf32, #tpu.memory_space<hbm>>
    %dma_start3A_211 = tpu.memref_slice %arg8[%add3A_207] : memref<1048576xf32, #tpu.memory_space<hbm>> -> memref<4096xf32, #tpu.memory_space<hbm>>
    %dma_start3A_212 = arith.constant 12288 : i32
    %dma_start3A_213 = tpu.memref_slice %arg15[%dma_start3A_212] : memref<16384xf32, #tpu.memory_space<vmem>> -> memref<4096xf32, #tpu.memory_space<vmem>>
    tpu.enqueue_dma source(%dma_start3A_213 : memref<4096xf32, #tpu.memory_space<vmem>>) target(%dma_start3A_211 : memref<4096xf32, #tpu.memory_space<hbm>>) target_semaphore(%arg21 : memref<!tpu.dma_semaphore, #tpu.memory_space<semaphore_mem>>)
    %dma_wait3A_214 = arith.constant 0 : i32
    %dma_wait3A_215 = tpu.memref_slice %arg16[%dma_wait3A_214] : memref<16384xf32, #tpu.memory_space<vmem>> -> memref<4096xf32, #tpu.memory_space<vmem>>
    %dma_wait3A_216 = tpu.memref_slice %arg7[%add3A_92] : memref<1048576xf32, #tpu.memory_space<hbm>> -> memref<4096xf32, #tpu.memory_space<hbm>>
    %dma_wait3A_217 = tpu.memref_slice %arg7[%add3A_92] : memref<1048576xf32, #tpu.memory_space<hbm>> -> memref<4096xf32, #tpu.memory_space<hbm>>
    %dma_wait3A_218 = arith.constant 0 : i32
    %dma_wait3A_219 = tpu.memref_slice %arg16[%dma_wait3A_218] : memref<16384xf32, #tpu.memory_space<vmem>> -> memref<4096xf32, #tpu.memory_space<vmem>>
    tpu.wait_dma2 semaphore(%arg21 : memref<!tpu.dma_semaphore, #tpu.memory_space<semaphore_mem>>) src(%dma_wait3A_219 : memref<4096xf32, #tpu.memory_space<vmem>>) dst(%dma_wait3A_217 : memref<4096xf32, #tpu.memory_space<hbm>>)
    %dma_wait3A_220 = arith.constant 4096 : i32
    %dma_wait3A_221 = tpu.memref_slice %arg16[%dma_wait3A_220] : memref<16384xf32, #tpu.memory_space<vmem>> -> memref<4096xf32, #tpu.memory_space<vmem>>
    %dma_wait3A_222 = tpu.memref_slice %arg7[%add3A_102] : memref<1048576xf32, #tpu.memory_space<hbm>> -> memref<4096xf32, #tpu.memory_space<hbm>>
    %dma_wait3A_223 = tpu.memref_slice %arg7[%add3A_102] : memref<1048576xf32, #tpu.memory_space<hbm>> -> memref<4096xf32, #tpu.memory_space<hbm>>
    %dma_wait3A_224 = arith.constant 4096 : i32
    %dma_wait3A_225 = tpu.memref_slice %arg16[%dma_wait3A_224] : memref<16384xf32, #tpu.memory_space<vmem>> -> memref<4096xf32, #tpu.memory_space<vmem>>
    tpu.wait_dma2 semaphore(%arg21 : memref<!tpu.dma_semaphore, #tpu.memory_space<semaphore_mem>>) src(%dma_wait3A_225 : memref<4096xf32, #tpu.memory_space<vmem>>) dst(%dma_wait3A_223 : memref<4096xf32, #tpu.memory_space<hbm>>)
    %dma_wait3A_226 = arith.constant 8192 : i32
    %dma_wait3A_227 = tpu.memref_slice %arg16[%dma_wait3A_226] : memref<16384xf32, #tpu.memory_space<vmem>> -> memref<4096xf32, #tpu.memory_space<vmem>>
    %dma_wait3A_228 = tpu.memref_slice %arg7[%add3A_112] : memref<1048576xf32, #tpu.memory_space<hbm>> -> memref<4096xf32, #tpu.memory_space<hbm>>
    %dma_wait3A_229 = tpu.memref_slice %arg7[%add3A_112] : memref<1048576xf32, #tpu.memory_space<hbm>> -> memref<4096xf32, #tpu.memory_space<hbm>>
    %dma_wait3A_230 = arith.constant 8192 : i32
    %dma_wait3A_231 = tpu.memref_slice %arg16[%dma_wait3A_230] : memref<16384xf32, #tpu.memory_space<vmem>> -> memref<4096xf32, #tpu.memory_space<vmem>>
    tpu.wait_dma2 semaphore(%arg21 : memref<!tpu.dma_semaphore, #tpu.memory_space<semaphore_mem>>) src(%dma_wait3A_231 : memref<4096xf32, #tpu.memory_space<vmem>>) dst(%dma_wait3A_229 : memref<4096xf32, #tpu.memory_space<hbm>>)
    %dma_wait3A_232 = arith.constant 12288 : i32
    %dma_wait3A_233 = tpu.memref_slice %arg16[%dma_wait3A_232] : memref<16384xf32, #tpu.memory_space<vmem>> -> memref<4096xf32, #tpu.memory_space<vmem>>
    %dma_wait3A_234 = tpu.memref_slice %arg7[%add3A_122] : memref<1048576xf32, #tpu.memory_space<hbm>> -> memref<4096xf32, #tpu.memory_space<hbm>>
    %dma_wait3A_235 = tpu.memref_slice %arg7[%add3A_122] : memref<1048576xf32, #tpu.memory_space<hbm>> -> memref<4096xf32, #tpu.memory_space<hbm>>
    %dma_wait3A_236 = arith.constant 12288 : i32
    %dma_wait3A_237 = tpu.memref_slice %arg16[%dma_wait3A_236] : memref<16384xf32, #tpu.memory_space<vmem>> -> memref<4096xf32, #tpu.memory_space<vmem>>
    tpu.wait_dma2 semaphore(%arg21 : memref<!tpu.dma_semaphore, #tpu.memory_space<semaphore_mem>>) src(%dma_wait3A_237 : memref<4096xf32, #tpu.memory_space<vmem>>) dst(%dma_wait3A_235 : memref<4096xf32, #tpu.memory_space<hbm>>)
    %broadcast_in_dim3A_238 = arith.constant 32 : i32
    %broadcast_in_dim3A_239 = vector.broadcast %broadcast_in_dim3A_238 : i32 to vector<16xi32>
    %scan3A_240 = arith.constant 0 : i32
    %scan3A_241 = arith.constant 0 : i32
    %scan3A_242 = arith.constant 32 : i32
    %scan3A_243 = arith.addi %scan3A_241, %scan3A_242 : i32
    %scan3A_244 = arith.constant 1 : i32
    scf.for %scan3A_349 = %scan3A_241 to %scan3A_243 step %scan3A_244  : i32 {
      %jit3A = arith.constant 8 : i32
      %div3A = arith.divsi %scan3A_349, %jit3A : i32
      %sign3A = arith.constant 0 : i32
      %sign3A_350 = arith.cmpi sgt, %scan3A_349, %sign3A : i32
      %sign3A_351 = arith.extui %sign3A_350 : i1 to i32
      %sign3A_352 = arith.constant 0 : i32
      %sign3A_353 = arith.cmpi slt, %scan3A_349, %sign3A_352 : i32
      %sign3A_354 = arith.extui %sign3A_353 : i1 to i32
      %sign3A_355 = arith.subi %sign3A_351, %sign3A_354 : i32
      %sign3A_356 = arith.constant 0 : i32
      %sign3A_357 = arith.cmpi sgt, %jit3A, %sign3A_356 : i32
      %sign3A_358 = arith.extui %sign3A_357 : i1 to i32
      %sign3A_359 = arith.constant 0 : i32
      %sign3A_360 = arith.cmpi slt, %jit3A, %sign3A_359 : i32
      %sign3A_361 = arith.extui %sign3A_360 : i1 to i32
      %sign3A_362 = arith.subi %sign3A_358, %sign3A_361 : i32
      %ne3A = arith.cmpi ne, %sign3A_355, %sign3A_362 : i32
      %rem3A = arith.remsi %scan3A_349, %jit3A : i32
      %ne3A_363 = arith.constant 0 : i32
      %ne3A_364 = arith.cmpi ne, %rem3A, %ne3A_363 : i32
      %and3A = arith.andi %ne3A, %ne3A_364 : i1
      %sub3A = arith.constant 1 : i32
      %sub3A_365 = arith.subi %div3A, %sub3A : i32
      %select_n3A = arith.select %and3A, %sub3A_365, %div3A : i32
      %mul3A_366 = arith.constant 8 : i32
      %mul3A_367 = arith.muli %select_n3A, %mul3A_366 : i32
      %sub3A_368 = arith.subi %scan3A_349, %mul3A_367 : i32
      %mul3A_369 = arith.constant 1024 : i32
      %mul3A_370 = arith.muli %select_n3A, %mul3A_369 : i32
      %mul3A_371 = arith.constant 16 : i32
      %mul3A_372 = arith.muli %sub3A_368, %mul3A_371 : i32
      %add3A_373 = arith.addi %mul3A_370, %mul3A_372 : i32
      %mul3A_374 = arith.constant 16 : i32
      %mul3A_375 = arith.muli %scan3A_349, %mul3A_374 : i32
      %get3A = arith.index_cast %mul3A_375 : i32 to index
      %get3A_376 = tpu.vector_load %arg10[%get3A] {strides = array<i32>} : memref<512xi32, #tpu.memory_space<vmem>>, vector<16xi32>,
      %gather3A = tpu.vector_load_idx %arg12[%get3A_376, %broadcast_in_dim3A_239] : memref<100x65xf32, #tpu.memory_space<vmem>>[vector<16xi32>, vector<16xi32>], vector<16xf32>,
      %add3A_377 = arith.addi %broadcast_in_dim3A_239, %broadcast_in_dim3A_27 : vector<16xi32>
      %gather3A_378 = tpu.vector_load_idx %arg12[%get3A_376, %add3A_377] : memref<100x65xf32, #tpu.memory_space<vmem>>[vector<16xi32>, vector<16xi32>], vector<16xf32>,
      %add3A_379 = arith.addi %add3A_377, %broadcast_in_dim3A_27 : vector<16xi32>
      %gather3A_380 = tpu.vector_load_idx %arg12[%get3A_376, %add3A_379] : memref<100x65xf32, #tpu.memory_space<vmem>>[vector<16xi32>, vector<16xi32>], vector<16xf32>,
      %add3A_381 = arith.addi %add3A_379, %broadcast_in_dim3A_27 : vector<16xi32>
      %gather3A_382 = tpu.vector_load_idx %arg12[%get3A_376, %add3A_381] : memref<100x65xf32, #tpu.memory_space<vmem>>[vector<16xi32>, vector<16xi32>], vector<16xf32>,
      %add3A_383 = arith.addi %add3A_381, %broadcast_in_dim3A_27 : vector<16xi32>
      %gather3A_384 = tpu.vector_load_idx %arg12[%get3A_376, %add3A_383] : memref<100x65xf32, #tpu.memory_space<vmem>>[vector<16xi32>, vector<16xi32>], vector<16xf32>,
      %add3A_385 = arith.addi %add3A_383, %broadcast_in_dim3A_27 : vector<16xi32>
      %gather3A_386 = tpu.vector_load_idx %arg12[%get3A_376, %add3A_385] : memref<100x65xf32, #tpu.memory_space<vmem>>[vector<16xi32>, vector<16xi32>], vector<16xf32>,
      %add3A_387 = arith.addi %add3A_385, %broadcast_in_dim3A_27 : vector<16xi32>
      %gather3A_388 = tpu.vector_load_idx %arg12[%get3A_376, %add3A_387] : memref<100x65xf32, #tpu.memory_space<vmem>>[vector<16xi32>, vector<16xi32>], vector<16xf32>,
      %add3A_389 = arith.addi %add3A_387, %broadcast_in_dim3A_27 : vector<16xi32>
      %gather3A_390 = tpu.vector_load_idx %arg12[%get3A_376, %add3A_389] : memref<100x65xf32, #tpu.memory_space<vmem>>[vector<16xi32>, vector<16xi32>], vector<16xf32>,
      %add3A_391 = arith.constant 0 : i32
      %add3A_392 = arith.addi %add3A_373, %add3A_391 : i32
      %add3A_393 = arith.constant 0 : i32
      %add3A_394 = arith.addi %add3A_392, %add3A_393 : i32
      %swap3A = arith.index_cast %add3A_394 : i32 to index
      %swap3A_395 = tpu.vector_load %arg16[%swap3A] {strides = array<i32>} : memref<16384xf32, #tpu.memory_space<vmem>>, vector<16xf32>,
      tpu.vector_store %arg16[%swap3A], %gather3A {strides = array<i32>} : memref<16384xf32, #tpu.memory_space<vmem>>, vector<16xf32>,
      %add3A_396 = arith.constant 0 : i32
      %add3A_397 = arith.addi %add3A_373, %add3A_396 : i32
      %add3A_398 = arith.constant 128 : i32
      %add3A_399 = arith.addi %add3A_397, %add3A_398 : i32
      %swap3A_400 = arith.index_cast %add3A_399 : i32 to index
      %swap3A_401 = tpu.vector_load %arg16[%swap3A_400] {strides = array<i32>} : memref<16384xf32, #tpu.memory_space<vmem>>, vector<16xf32>,
      tpu.vector_store %arg16[%swap3A_400], %gather3A_378 {strides = array<i32>} : memref<16384xf32, #tpu.memory_space<vmem>>, vector<16xf32>,
      %add3A_402 = arith.constant 0 : i32
      %add3A_403 = arith.addi %add3A_373, %add3A_402 : i32
      %add3A_404 = arith.constant 256 : i32
      %add3A_405 = arith.addi %add3A_403, %add3A_404 : i32
      %swap3A_406 = arith.index_cast %add3A_405 : i32 to index
      %swap3A_407 = tpu.vector_load %arg16[%swap3A_406] {strides = array<i32>} : memref<16384xf32, #tpu.memory_space<vmem>>, vector<16xf32>,
      tpu.vector_store %arg16[%swap3A_406], %gather3A_380 {strides = array<i32>} : memref<16384xf32, #tpu.memory_space<vmem>>, vector<16xf32>,
      %add3A_408 = arith.constant 0 : i32
      %add3A_409 = arith.addi %add3A_373, %add3A_408 : i32
      %add3A_410 = arith.constant 384 : i32
      %add3A_411 = arith.addi %add3A_409, %add3A_410 : i32
      %swap3A_412 = arith.index_cast %add3A_411 : i32 to index
      %swap3A_413 = tpu.vector_load %arg16[%swap3A_412] {strides = array<i32>} : memref<16384xf32, #tpu.memory_space<vmem>>, vector<16xf32>,
      tpu.vector_store %arg16[%swap3A_412], %gather3A_382 {strides = array<i32>} : memref<16384xf32, #tpu.memory_space<vmem>>, vector<16xf32>,
      %add3A_414 = arith.constant 0 : i32
      %add3A_415 = arith.addi %add3A_373, %add3A_414 : i32
      %add3A_416 = arith.constant 512 : i32
      %add3A_417 = arith.addi %add3A_415, %add3A_416 : i32
      %swap3A_418 = arith.index_cast %add3A_417 : i32 to index
      %swap3A_419 = tpu.vector_load %arg16[%swap3A_418] {strides = array<i32>} : memref<16384xf32, #tpu.memory_space<vmem>>, vector<16xf32>,
      tpu.vector_store %arg16[%swap3A_418], %gather3A_384 {strides = array<i32>} : memref<16384xf32, #tpu.memory_space<vmem>>, vector<16xf32>,
      %add3A_420 = arith.constant 0 : i32
      %add3A_421 = arith.addi %add3A_373, %add3A_420 : i32
      %add3A_422 = arith.constant 640 : i32
      %add3A_423 = arith.addi %add3A_421, %add3A_422 : i32
      %swap3A_424 = arith.index_cast %add3A_423 : i32 to index
      %swap3A_425 = tpu.vector_load %arg16[%swap3A_424] {strides = array<i32>} : memref<16384xf32, #tpu.memory_space<vmem>>, vector<16xf32>,
      tpu.vector_store %arg16[%swap3A_424], %gather3A_386 {strides = array<i32>} : memref<16384xf32, #tpu.memory_space<vmem>>, vector<16xf32>,
      %add3A_426 = arith.constant 0 : i32
      %add3A_427 = arith.addi %add3A_373, %add3A_426 : i32
      %add3A_428 = arith.constant 768 : i32
      %add3A_429 = arith.addi %add3A_427, %add3A_428 : i32
      %swap3A_430 = arith.index_cast %add3A_429 : i32 to index
      %swap3A_431 = tpu.vector_load %arg16[%swap3A_430] {strides = array<i32>} : memref<16384xf32, #tpu.memory_space<vmem>>, vector<16xf32>,
      tpu.vector_store %arg16[%swap3A_430], %gather3A_388 {strides = array<i32>} : memref<16384xf32, #tpu.memory_space<vmem>>, vector<16xf32>,
      %add3A_432 = arith.constant 0 : i32
      %add3A_433 = arith.addi %add3A_373, %add3A_432 : i32
      %add3A_434 = arith.constant 896 : i32
      %add3A_435 = arith.addi %add3A_433, %add3A_434 : i32
      %swap3A_436 = arith.index_cast %add3A_435 : i32 to index
      %swap3A_437 = tpu.vector_load %arg16[%swap3A_436] {strides = array<i32>} : memref<16384xf32, #tpu.memory_space<vmem>>, vector<16xf32>,
      tpu.vector_store %arg16[%swap3A_436], %gather3A_390 {strides = array<i32>} : memref<16384xf32, #tpu.memory_space<vmem>>, vector<16xf32>,
      %add3A_438 = arith.addi %add3A_389, %broadcast_in_dim3A_27 : vector<16xi32>
      %gather3A_439 = tpu.vector_load_idx %arg12[%get3A_376, %add3A_438] : memref<100x65xf32, #tpu.memory_space<vmem>>[vector<16xi32>, vector<16xi32>], vector<16xf32>,
      %add3A_440 = arith.addi %add3A_438, %broadcast_in_dim3A_27 : vector<16xi32>
      %gather3A_441 = tpu.vector_load_idx %arg12[%get3A_376, %add3A_440] : memref<100x65xf32, #tpu.memory_space<vmem>>[vector<16xi32>, vector<16xi32>], vector<16xf32>,
      %add3A_442 = arith.addi %add3A_440, %broadcast_in_dim3A_27 : vector<16xi32>
      %gather3A_443 = tpu.vector_load_idx %arg12[%get3A_376, %add3A_442] : memref<100x65xf32, #tpu.memory_space<vmem>>[vector<16xi32>, vector<16xi32>], vector<16xf32>,
      %add3A_444 = arith.addi %add3A_442, %broadcast_in_dim3A_27 : vector<16xi32>
      %gather3A_445 = tpu.vector_load_idx %arg12[%get3A_376, %add3A_444] : memref<100x65xf32, #tpu.memory_space<vmem>>[vector<16xi32>, vector<16xi32>], vector<16xf32>,
      %add3A_446 = arith.addi %add3A_444, %broadcast_in_dim3A_27 : vector<16xi32>
      %gather3A_447 = tpu.vector_load_idx %arg12[%get3A_376, %add3A_446] : memref<100x65xf32, #tpu.memory_space<vmem>>[vector<16xi32>, vector<16xi32>], vector<16xf32>,
      %add3A_448 = arith.addi %add3A_446, %broadcast_in_dim3A_27 : vector<16xi32>
      %gather3A_449 = tpu.vector_load_idx %arg12[%get3A_376, %add3A_448] : memref<100x65xf32, #tpu.memory_space<vmem>>[vector<16xi32>, vector<16xi32>], vector<16xf32>,
      %add3A_450 = arith.addi %add3A_448, %broadcast_in_dim3A_27 : vector<16xi32>
      %gather3A_451 = tpu.vector_load_idx %arg12[%get3A_376, %add3A_450] : memref<100x65xf32, #tpu.memory_space<vmem>>[vector<16xi32>, vector<16xi32>], vector<16xf32>,
      %add3A_452 = arith.addi %add3A_450, %broadcast_in_dim3A_27 : vector<16xi32>
      %gather3A_453 = tpu.vector_load_idx %arg12[%get3A_376, %add3A_452] : memref<100x65xf32, #tpu.memory_space<vmem>>[vector<16xi32>, vector<16xi32>], vector<16xf32>,
      %add3A_454 = arith.constant 4096 : i32
      %add3A_455 = arith.addi %add3A_373, %add3A_454 : i32
      %add3A_456 = arith.constant 0 : i32
      %add3A_457 = arith.addi %add3A_455, %add3A_456 : i32
      %swap3A_458 = arith.index_cast %add3A_457 : i32 to index
      %swap3A_459 = tpu.vector_load %arg16[%swap3A_458] {strides = array<i32>} : memref<16384xf32, #tpu.memory_space<vmem>>, vector<16xf32>,
      tpu.vector_store %arg16[%swap3A_458], %gather3A_439 {strides = array<i32>} : memref<16384xf32, #tpu.memory_space<vmem>>, vector<16xf32>,
      %add3A_460 = arith.constant 4096 : i32
      %add3A_461 = arith.addi %add3A_373, %add3A_460 : i32
      %add3A_462 = arith.constant 128 : i32
      %add3A_463 = arith.addi %add3A_461, %add3A_462 : i32
      %swap3A_464 = arith.index_cast %add3A_463 : i32 to index
      %swap3A_465 = tpu.vector_load %arg16[%swap3A_464] {strides = array<i32>} : memref<16384xf32, #tpu.memory_space<vmem>>, vector<16xf32>,
      tpu.vector_store %arg16[%swap3A_464], %gather3A_441 {strides = array<i32>} : memref<16384xf32, #tpu.memory_space<vmem>>, vector<16xf32>,
      %add3A_466 = arith.constant 4096 : i32
      %add3A_467 = arith.addi %add3A_373, %add3A_466 : i32
      %add3A_468 = arith.constant 256 : i32
      %add3A_469 = arith.addi %add3A_467, %add3A_468 : i32
      %swap3A_470 = arith.index_cast %add3A_469 : i32 to index
      %swap3A_471 = tpu.vector_load %arg16[%swap3A_470] {strides = array<i32>} : memref<16384xf32, #tpu.memory_space<vmem>>, vector<16xf32>,
      tpu.vector_store %arg16[%swap3A_470], %gather3A_443 {strides = array<i32>} : memref<16384xf32, #tpu.memory_space<vmem>>, vector<16xf32>,
      %add3A_472 = arith.constant 4096 : i32
      %add3A_473 = arith.addi %add3A_373, %add3A_472 : i32
      %add3A_474 = arith.constant 384 : i32
      %add3A_475 = arith.addi %add3A_473, %add3A_474 : i32
      %swap3A_476 = arith.index_cast %add3A_475 : i32 to index
      %swap3A_477 = tpu.vector_load %arg16[%swap3A_476] {strides = array<i32>} : memref<16384xf32, #tpu.memory_space<vmem>>, vector<16xf32>,
      tpu.vector_store %arg16[%swap3A_476], %gather3A_445 {strides = array<i32>} : memref<16384xf32, #tpu.memory_space<vmem>>, vector<16xf32>,
      %add3A_478 = arith.constant 4096 : i32
      %add3A_479 = arith.addi %add3A_373, %add3A_478 : i32
      %add3A_480 = arith.constant 512 : i32
      %add3A_481 = arith.addi %add3A_479, %add3A_480 : i32
      %swap3A_482 = arith.index_cast %add3A_481 : i32 to index
      %swap3A_483 = tpu.vector_load %arg16[%swap3A_482] {strides = array<i32>} : memref<16384xf32, #tpu.memory_space<vmem>>, vector<16xf32>,
      tpu.vector_store %arg16[%swap3A_482], %gather3A_447 {strides = array<i32>} : memref<16384xf32, #tpu.memory_space<vmem>>, vector<16xf32>,
      %add3A_484 = arith.constant 4096 : i32
      %add3A_485 = arith.addi %add3A_373, %add3A_484 : i32
      %add3A_486 = arith.constant 640 : i32
      %add3A_487 = arith.addi %add3A_485, %add3A_486 : i32
      %swap3A_488 = arith.index_cast %add3A_487 : i32 to index
      %swap3A_489 = tpu.vector_load %arg16[%swap3A_488] {strides = array<i32>} : memref<16384xf32, #tpu.memory_space<vmem>>, vector<16xf32>,
      tpu.vector_store %arg16[%swap3A_488], %gather3A_449 {strides = array<i32>} : memref<16384xf32, #tpu.memory_space<vmem>>, vector<16xf32>,
      %add3A_490 = arith.constant 4096 : i32
      %add3A_491 = arith.addi %add3A_373, %add3A_490 : i32
      %add3A_492 = arith.constant 768 : i32
      %add3A_493 = arith.addi %add3A_491, %add3A_492 : i32
      %swap3A_494 = arith.index_cast %add3A_493 : i32 to index
      %swap3A_495 = tpu.vector_load %arg16[%swap3A_494] {strides = array<i32>} : memref<16384xf32, #tpu.memory_space<vmem>>, vector<16xf32>,
      tpu.vector_store %arg16[%swap3A_494], %gather3A_451 {strides = array<i32>} : memref<16384xf32, #tpu.memory_space<vmem>>, vector<16xf32>,
      %add3A_496 = arith.constant 4096 : i32
      %add3A_497 = arith.addi %add3A_373, %add3A_496 : i32
      %add3A_498 = arith.constant 896 : i32
      %add3A_499 = arith.addi %add3A_497, %add3A_498 : i32
      %swap3A_500 = arith.index_cast %add3A_499 : i32 to index
      %swap3A_501 = tpu.vector_load %arg16[%swap3A_500] {strides = array<i32>} : memref<16384xf32, #tpu.memory_space<vmem>>, vector<16xf32>,
      tpu.vector_store %arg16[%swap3A_500], %gather3A_453 {strides = array<i32>} : memref<16384xf32, #tpu.memory_space<vmem>>, vector<16xf32>,
      %add3A_502 = arith.addi %add3A_452, %broadcast_in_dim3A_27 : vector<16xi32>
      %gather3A_503 = tpu.vector_load_idx %arg12[%get3A_376, %add3A_502] : memref<100x65xf32, #tpu.memory_space<vmem>>[vector<16xi32>, vector<16xi32>], vector<16xf32>,
      %add3A_504 = arith.addi %add3A_502, %broadcast_in_dim3A_27 : vector<16xi32>
      %gather3A_505 = tpu.vector_load_idx %arg12[%get3A_376, %add3A_504] : memref<100x65xf32, #tpu.memory_space<vmem>>[vector<16xi32>, vector<16xi32>], vector<16xf32>,
      %add3A_506 = arith.addi %add3A_504, %broadcast_in_dim3A_27 : vector<16xi32>
      %gather3A_507 = tpu.vector_load_idx %arg12[%get3A_376, %add3A_506] : memref<100x65xf32, #tpu.memory_space<vmem>>[vector<16xi32>, vector<16xi32>], vector<16xf32>,
      %add3A_508 = arith.addi %add3A_506, %broadcast_in_dim3A_27 : vector<16xi32>
      %gather3A_509 = tpu.vector_load_idx %arg12[%get3A_376, %add3A_508] : memref<100x65xf32, #tpu.memory_space<vmem>>[vector<16xi32>, vector<16xi32>], vector<16xf32>,
      %add3A_510 = arith.addi %add3A_508, %broadcast_in_dim3A_27 : vector<16xi32>
      %gather3A_511 = tpu.vector_load_idx %arg12[%get3A_376, %add3A_510] : memref<100x65xf32, #tpu.memory_space<vmem>>[vector<16xi32>, vector<16xi32>], vector<16xf32>,
      %add3A_512 = arith.addi %add3A_510, %broadcast_in_dim3A_27 : vector<16xi32>
      %gather3A_513 = tpu.vector_load_idx %arg12[%get3A_376, %add3A_512] : memref<100x65xf32, #tpu.memory_space<vmem>>[vector<16xi32>, vector<16xi32>], vector<16xf32>,
      %add3A_514 = arith.addi %add3A_512, %broadcast_in_dim3A_27 : vector<16xi32>
      %gather3A_515 = tpu.vector_load_idx %arg12[%get3A_376, %add3A_514] : memref<100x65xf32, #tpu.memory_space<vmem>>[vector<16xi32>, vector<16xi32>], vector<16xf32>,
      %add3A_516 = arith.addi %add3A_514, %broadcast_in_dim3A_27 : vector<16xi32>
      %gather3A_517 = tpu.vector_load_idx %arg12[%get3A_376, %add3A_516] : memref<100x65xf32, #tpu.memory_space<vmem>>[vector<16xi32>, vector<16xi32>], vector<16xf32>,
      %add3A_518 = arith.constant 8192 : i32
      %add3A_519 = arith.addi %add3A_373, %add3A_518 : i32
      %add3A_520 = arith.constant 0 : i32
      %add3A_521 = arith.addi %add3A_519, %add3A_520 : i32
      %swap3A_522 = arith.index_cast %add3A_521 : i32 to index
      %swap3A_523 = tpu.vector_load %arg16[%swap3A_522] {strides = array<i32>} : memref<16384xf32, #tpu.memory_space<vmem>>, vector<16xf32>,
      tpu.vector_store %arg16[%swap3A_522], %gather3A_503 {strides = array<i32>} : memref<16384xf32, #tpu.memory_space<vmem>>, vector<16xf32>,
      %add3A_524 = arith.constant 8192 : i32
      %add3A_525 = arith.addi %add3A_373, %add3A_524 : i32
      %add3A_526 = arith.constant 128 : i32
      %add3A_527 = arith.addi %add3A_525, %add3A_526 : i32
      %swap3A_528 = arith.index_cast %add3A_527 : i32 to index
      %swap3A_529 = tpu.vector_load %arg16[%swap3A_528] {strides = array<i32>} : memref<16384xf32, #tpu.memory_space<vmem>>, vector<16xf32>,
      tpu.vector_store %arg16[%swap3A_528], %gather3A_505 {strides = array<i32>} : memref<16384xf32, #tpu.memory_space<vmem>>, vector<16xf32>,
      %add3A_530 = arith.constant 8192 : i32
      %add3A_531 = arith.addi %add3A_373, %add3A_530 : i32
      %add3A_532 = arith.constant 256 : i32
      %add3A_533 = arith.addi %add3A_531, %add3A_532 : i32
      %swap3A_534 = arith.index_cast %add3A_533 : i32 to index
      %swap3A_535 = tpu.vector_load %arg16[%swap3A_534] {strides = array<i32>} : memref<16384xf32, #tpu.memory_space<vmem>>, vector<16xf32>,
      tpu.vector_store %arg16[%swap3A_534], %gather3A_507 {strides = array<i32>} : memref<16384xf32, #tpu.memory_space<vmem>>, vector<16xf32>,
      %add3A_536 = arith.constant 8192 : i32
      %add3A_537 = arith.addi %add3A_373, %add3A_536 : i32
      %add3A_538 = arith.constant 384 : i32
      %add3A_539 = arith.addi %add3A_537, %add3A_538 : i32
      %swap3A_540 = arith.index_cast %add3A_539 : i32 to index
      %swap3A_541 = tpu.vector_load %arg16[%swap3A_540] {strides = array<i32>} : memref<16384xf32, #tpu.memory_space<vmem>>, vector<16xf32>,
      tpu.vector_store %arg16[%swap3A_540], %gather3A_509 {strides = array<i32>} : memref<16384xf32, #tpu.memory_space<vmem>>, vector<16xf32>,
      %add3A_542 = arith.constant 8192 : i32
      %add3A_543 = arith.addi %add3A_373, %add3A_542 : i32
      %add3A_544 = arith.constant 512 : i32
      %add3A_545 = arith.addi %add3A_543, %add3A_544 : i32
      %swap3A_546 = arith.index_cast %add3A_545 : i32 to index
      %swap3A_547 = tpu.vector_load %arg16[%swap3A_546] {strides = array<i32>} : memref<16384xf32, #tpu.memory_space<vmem>>, vector<16xf32>,
      tpu.vector_store %arg16[%swap3A_546], %gather3A_511 {strides = array<i32>} : memref<16384xf32, #tpu.memory_space<vmem>>, vector<16xf32>,
      %add3A_548 = arith.constant 8192 : i32
      %add3A_549 = arith.addi %add3A_373, %add3A_548 : i32
      %add3A_550 = arith.constant 640 : i32
      %add3A_551 = arith.addi %add3A_549, %add3A_550 : i32
      %swap3A_552 = arith.index_cast %add3A_551 : i32 to index
      %swap3A_553 = tpu.vector_load %arg16[%swap3A_552] {strides = array<i32>} : memref<16384xf32, #tpu.memory_space<vmem>>, vector<16xf32>,
      tpu.vector_store %arg16[%swap3A_552], %gather3A_513 {strides = array<i32>} : memref<16384xf32, #tpu.memory_space<vmem>>, vector<16xf32>,
      %add3A_554 = arith.constant 8192 : i32
      %add3A_555 = arith.addi %add3A_373, %add3A_554 : i32
      %add3A_556 = arith.constant 768 : i32
      %add3A_557 = arith.addi %add3A_555, %add3A_556 : i32
      %swap3A_558 = arith.index_cast %add3A_557 : i32 to index
      %swap3A_559 = tpu.vector_load %arg16[%swap3A_558] {strides = array<i32>} : memref<16384xf32, #tpu.memory_space<vmem>>, vector<16xf32>,
      tpu.vector_store %arg16[%swap3A_558], %gather3A_515 {strides = array<i32>} : memref<16384xf32, #tpu.memory_space<vmem>>, vector<16xf32>,
      %add3A_560 = arith.constant 8192 : i32
      %add3A_561 = arith.addi %add3A_373, %add3A_560 : i32
      %add3A_562 = arith.constant 896 : i32
      %add3A_563 = arith.addi %add3A_561, %add3A_562 : i32
      %swap3A_564 = arith.index_cast %add3A_563 : i32 to index
      %swap3A_565 = tpu.vector_load %arg16[%swap3A_564] {strides = array<i32>} : memref<16384xf32, #tpu.memory_space<vmem>>, vector<16xf32>,
      tpu.vector_store %arg16[%swap3A_564], %gather3A_517 {strides = array<i32>} : memref<16384xf32, #tpu.memory_space<vmem>>, vector<16xf32>,
      %add3A_566 = arith.addi %add3A_516, %broadcast_in_dim3A_27 : vector<16xi32>
      %gather3A_567 = tpu.vector_load_idx %arg12[%get3A_376, %add3A_566] : memref<100x65xf32, #tpu.memory_space<vmem>>[vector<16xi32>, vector<16xi32>], vector<16xf32>,
      %add3A_568 = arith.addi %add3A_566, %broadcast_in_dim3A_27 : vector<16xi32>
      %gather3A_569 = tpu.vector_load_idx %arg12[%get3A_376, %add3A_568] : memref<100x65xf32, #tpu.memory_space<vmem>>[vector<16xi32>, vector<16xi32>], vector<16xf32>,
      %add3A_570 = arith.addi %add3A_568, %broadcast_in_dim3A_27 : vector<16xi32>
      %gather3A_571 = tpu.vector_load_idx %arg12[%get3A_376, %add3A_570] : memref<100x65xf32, #tpu.memory_space<vmem>>[vector<16xi32>, vector<16xi32>], vector<16xf32>,
      %add3A_572 = arith.addi %add3A_570, %broadcast_in_dim3A_27 : vector<16xi32>
      %gather3A_573 = tpu.vector_load_idx %arg12[%get3A_376, %add3A_572] : memref<100x65xf32, #tpu.memory_space<vmem>>[vector<16xi32>, vector<16xi32>], vector<16xf32>,
      %add3A_574 = arith.addi %add3A_572, %broadcast_in_dim3A_27 : vector<16xi32>
      %gather3A_575 = tpu.vector_load_idx %arg12[%get3A_376, %add3A_574] : memref<100x65xf32, #tpu.memory_space<vmem>>[vector<16xi32>, vector<16xi32>], vector<16xf32>,
      %add3A_576 = arith.addi %add3A_574, %broadcast_in_dim3A_27 : vector<16xi32>
      %gather3A_577 = tpu.vector_load_idx %arg12[%get3A_376, %add3A_576] : memref<100x65xf32, #tpu.memory_space<vmem>>[vector<16xi32>, vector<16xi32>], vector<16xf32>,
      %add3A_578 = arith.addi %add3A_576, %broadcast_in_dim3A_27 : vector<16xi32>
      %gather3A_579 = tpu.vector_load_idx %arg12[%get3A_376, %add3A_578] : memref<100x65xf32, #tpu.memory_space<vmem>>[vector<16xi32>, vector<16xi32>], vector<16xf32>,
      %add3A_580 = arith.addi %add3A_578, %broadcast_in_dim3A_27 : vector<16xi32>
      %gather3A_581 = tpu.vector_load_idx %arg12[%get3A_376, %add3A_580] : memref<100x65xf32, #tpu.memory_space<vmem>>[vector<16xi32>, vector<16xi32>], vector<16xf32>,
      %add3A_582 = arith.constant 12288 : i32
      %add3A_583 = arith.addi %add3A_373, %add3A_582 : i32
      %add3A_584 = arith.constant 0 : i32
      %add3A_585 = arith.addi %add3A_583, %add3A_584 : i32
      %swap3A_586 = arith.index_cast %add3A_585 : i32 to index
      %swap3A_587 = tpu.vector_load %arg16[%swap3A_586] {strides = array<i32>} : memref<16384xf32, #tpu.memory_space<vmem>>, vector<16xf32>,
      tpu.vector_store %arg16[%swap3A_586], %gather3A_567 {strides = array<i32>} : memref<16384xf32, #tpu.memory_space<vmem>>, vector<16xf32>,
      %add3A_588 = arith.constant 12288 : i32
      %add3A_589 = arith.addi %add3A_373, %add3A_588 : i32
      %add3A_590 = arith.constant 128 : i32
      %add3A_591 = arith.addi %add3A_589, %add3A_590 : i32
      %swap3A_592 = arith.index_cast %add3A_591 : i32 to index
      %swap3A_593 = tpu.vector_load %arg16[%swap3A_592] {strides = array<i32>} : memref<16384xf32, #tpu.memory_space<vmem>>, vector<16xf32>,
      tpu.vector_store %arg16[%swap3A_592], %gather3A_569 {strides = array<i32>} : memref<16384xf32, #tpu.memory_space<vmem>>, vector<16xf32>,
      %add3A_594 = arith.constant 12288 : i32
      %add3A_595 = arith.addi %add3A_373, %add3A_594 : i32
      %add3A_596 = arith.constant 256 : i32
      %add3A_597 = arith.addi %add3A_595, %add3A_596 : i32
      %swap3A_598 = arith.index_cast %add3A_597 : i32 to index
      %swap3A_599 = tpu.vector_load %arg16[%swap3A_598] {strides = array<i32>} : memref<16384xf32, #tpu.memory_space<vmem>>, vector<16xf32>,
      tpu.vector_store %arg16[%swap3A_598], %gather3A_571 {strides = array<i32>} : memref<16384xf32, #tpu.memory_space<vmem>>, vector<16xf32>,
      %add3A_600 = arith.constant 12288 : i32
      %add3A_601 = arith.addi %add3A_373, %add3A_600 : i32
      %add3A_602 = arith.constant 384 : i32
      %add3A_603 = arith.addi %add3A_601, %add3A_602 : i32
      %swap3A_604 = arith.index_cast %add3A_603 : i32 to index
      %swap3A_605 = tpu.vector_load %arg16[%swap3A_604] {strides = array<i32>} : memref<16384xf32, #tpu.memory_space<vmem>>, vector<16xf32>,
      tpu.vector_store %arg16[%swap3A_604], %gather3A_573 {strides = array<i32>} : memref<16384xf32, #tpu.memory_space<vmem>>, vector<16xf32>,
      %add3A_606 = arith.constant 12288 : i32
      %add3A_607 = arith.addi %add3A_373, %add3A_606 : i32
      %add3A_608 = arith.constant 512 : i32
      %add3A_609 = arith.addi %add3A_607, %add3A_608 : i32
      %swap3A_610 = arith.index_cast %add3A_609 : i32 to index
      %swap3A_611 = tpu.vector_load %arg16[%swap3A_610] {strides = array<i32>} : memref<16384xf32, #tpu.memory_space<vmem>>, vector<16xf32>,
      tpu.vector_store %arg16[%swap3A_610], %gather3A_575 {strides = array<i32>} : memref<16384xf32, #tpu.memory_space<vmem>>, vector<16xf32>,
      %add3A_612 = arith.constant 12288 : i32
      %add3A_613 = arith.addi %add3A_373, %add3A_612 : i32
      %add3A_614 = arith.constant 640 : i32
      %add3A_615 = arith.addi %add3A_613, %add3A_614 : i32
      %swap3A_616 = arith.index_cast %add3A_615 : i32 to index
      %swap3A_617 = tpu.vector_load %arg16[%swap3A_616] {strides = array<i32>} : memref<16384xf32, #tpu.memory_space<vmem>>, vector<16xf32>,
      tpu.vector_store %arg16[%swap3A_616], %gather3A_577 {strides = array<i32>} : memref<16384xf32, #tpu.memory_space<vmem>>, vector<16xf32>,
      %add3A_618 = arith.constant 12288 : i32
      %add3A_619 = arith.addi %add3A_373, %add3A_618 : i32
      %add3A_620 = arith.constant 768 : i32
      %add3A_621 = arith.addi %add3A_619, %add3A_620 : i32
      %swap3A_622 = arith.index_cast %add3A_621 : i32 to index
      %swap3A_623 = tpu.vector_load %arg16[%swap3A_622] {strides = array<i32>} : memref<16384xf32, #tpu.memory_space<vmem>>, vector<16xf32>,
      tpu.vector_store %arg16[%swap3A_622], %gather3A_579 {strides = array<i32>} : memref<16384xf32, #tpu.memory_space<vmem>>, vector<16xf32>,
      %add3A_624 = arith.constant 12288 : i32
      %add3A_625 = arith.addi %add3A_373, %add3A_624 : i32
      %add3A_626 = arith.constant 896 : i32
      %add3A_627 = arith.addi %add3A_625, %add3A_626 : i32
      %swap3A_628 = arith.index_cast %add3A_627 : i32 to index
      %swap3A_629 = tpu.vector_load %arg16[%swap3A_628] {strides = array<i32>} : memref<16384xf32, #tpu.memory_space<vmem>>, vector<16xf32>,
      tpu.vector_store %arg16[%swap3A_628], %gather3A_581 {strides = array<i32>} : memref<16384xf32, #tpu.memory_space<vmem>>, vector<16xf32>,
    }
    %scan3A_245 = arith.constant 32 : i32
    %mul3A_246 = arith.constant 4096 : i32
    %mul3A_247 = arith.muli %add3A, %mul3A_246 : i32
    %add3A_248 = arith.constant 524288 : i32
    %add3A_249 = arith.addi %add3A_248, %mul3A_247 : i32
    %dma_start3A_250 = arith.constant 0 : i32
    %dma_start3A_251 = tpu.memref_slice %arg16[%dma_start3A_250] : memref<16384xf32, #tpu.memory_space<vmem>> -> memref<4096xf32, #tpu.memory_space<vmem>>
    %dma_start3A_252 = tpu.memref_slice %arg8[%add3A_249] : memref<1048576xf32, #tpu.memory_space<hbm>> -> memref<4096xf32, #tpu.memory_space<hbm>>
    %dma_start3A_253 = tpu.memref_slice %arg8[%add3A_249] : memref<1048576xf32, #tpu.memory_space<hbm>> -> memref<4096xf32, #tpu.memory_space<hbm>>
    %dma_start3A_254 = arith.constant 0 : i32
    %dma_start3A_255 = tpu.memref_slice %arg16[%dma_start3A_254] : memref<16384xf32, #tpu.memory_space<vmem>> -> memref<4096xf32, #tpu.memory_space<vmem>>
    tpu.enqueue_dma source(%dma_start3A_255 : memref<4096xf32, #tpu.memory_space<vmem>>) target(%dma_start3A_253 : memref<4096xf32, #tpu.memory_space<hbm>>) target_semaphore(%arg21 : memref<!tpu.dma_semaphore, #tpu.memory_space<semaphore_mem>>)
    %mul3A_256 = arith.constant 4096 : i32
    %mul3A_257 = arith.muli %add3A, %mul3A_256 : i32
    %add3A_258 = arith.constant 655360 : i32
    %add3A_259 = arith.addi %add3A_258, %mul3A_257 : i32
    %dma_start3A_260 = arith.constant 4096 : i32
    %dma_start3A_261 = tpu.memref_slice %arg16[%dma_start3A_260] : memref<16384xf32, #tpu.memory_space<vmem>> -> memref<4096xf32, #tpu.memory_space<vmem>>
    %dma_start3A_262 = tpu.memref_slice %arg8[%add3A_259] : memref<1048576xf32, #tpu.memory_space<hbm>> -> memref<4096xf32, #tpu.memory_space<hbm>>
    %dma_start3A_263 = tpu.memref_slice %arg8[%add3A_259] : memref<1048576xf32, #tpu.memory_space<hbm>> -> memref<4096xf32, #tpu.memory_space<hbm>>
    %dma_start3A_264 = arith.constant 4096 : i32
    %dma_start3A_265 = tpu.memref_slice %arg16[%dma_start3A_264] : memref<16384xf32, #tpu.memory_space<vmem>> -> memref<4096xf32, #tpu.memory_space<vmem>>
    tpu.enqueue_dma source(%dma_start3A_265 : memref<4096xf32, #tpu.memory_space<vmem>>) target(%dma_start3A_263 : memref<4096xf32, #tpu.memory_space<hbm>>) target_semaphore(%arg21 : memref<!tpu.dma_semaphore, #tpu.memory_space<semaphore_mem>>)
    %mul3A_266 = arith.constant 4096 : i32
    %mul3A_267 = arith.muli %add3A, %mul3A_266 : i32
    %add3A_268 = arith.constant 786432 : i32
    %add3A_269 = arith.addi %add3A_268, %mul3A_267 : i32
    %dma_start3A_270 = arith.constant 8192 : i32
    %dma_start3A_271 = tpu.memref_slice %arg16[%dma_start3A_270] : memref<16384xf32, #tpu.memory_space<vmem>> -> memref<4096xf32, #tpu.memory_space<vmem>>
    %dma_start3A_272 = tpu.memref_slice %arg8[%add3A_269] : memref<1048576xf32, #tpu.memory_space<hbm>> -> memref<4096xf32, #tpu.memory_space<hbm>>
    %dma_start3A_273 = tpu.memref_slice %arg8[%add3A_269] : memref<1048576xf32, #tpu.memory_space<hbm>> -> memref<4096xf32, #tpu.memory_space<hbm>>
    %dma_start3A_274 = arith.constant 8192 : i32
    %dma_start3A_275 = tpu.memref_slice %arg16[%dma_start3A_274] : memref<16384xf32, #tpu.memory_space<vmem>> -> memref<4096xf32, #tpu.memory_space<vmem>>
    tpu.enqueue_dma source(%dma_start3A_275 : memref<4096xf32, #tpu.memory_space<vmem>>) target(%dma_start3A_273 : memref<4096xf32, #tpu.memory_space<hbm>>) target_semaphore(%arg21 : memref<!tpu.dma_semaphore, #tpu.memory_space<semaphore_mem>>)
    %mul3A_276 = arith.constant 4096 : i32
    %mul3A_277 = arith.muli %add3A, %mul3A_276 : i32
    %add3A_278 = arith.constant 917504 : i32
    %add3A_279 = arith.addi %add3A_278, %mul3A_277 : i32
    %dma_start3A_280 = arith.constant 12288 : i32
    %dma_start3A_281 = tpu.memref_slice %arg16[%dma_start3A_280] : memref<16384xf32, #tpu.memory_space<vmem>> -> memref<4096xf32, #tpu.memory_space<vmem>>
    %dma_start3A_282 = tpu.memref_slice %arg8[%add3A_279] : memref<1048576xf32, #tpu.memory_space<hbm>> -> memref<4096xf32, #tpu.memory_space<hbm>>
    %dma_start3A_283 = tpu.memref_slice %arg8[%add3A_279] : memref<1048576xf32, #tpu.memory_space<hbm>> -> memref<4096xf32, #tpu.memory_space<hbm>>
    %dma_start3A_284 = arith.constant 12288 : i32
    %dma_start3A_285 = tpu.memref_slice %arg16[%dma_start3A_284] : memref<16384xf32, #tpu.memory_space<vmem>> -> memref<4096xf32, #tpu.memory_space<vmem>>
    tpu.enqueue_dma source(%dma_start3A_285 : memref<4096xf32, #tpu.memory_space<vmem>>) target(%dma_start3A_283 : memref<4096xf32, #tpu.memory_space<hbm>>) target_semaphore(%arg21 : memref<!tpu.dma_semaphore, #tpu.memory_space<semaphore_mem>>)
    %dma_wait3A_286 = arith.constant 0 : i32
    %dma_wait3A_287 = arith.constant 0 : i32
    %dma_wait3A_288 = tpu.memref_slice %arg5[%dma_wait3A_286, %dma_wait3A_287] : memref<100x64xf32, #tpu.memory_space<hbm>> -> memref<100x64xf32, #tpu.memory_space<hbm>>
    tpu.wait_indirect_dma semaphore(%arg20 : memref<!tpu.dma_semaphore, #tpu.memory_space<semaphore_mem>>) src(%dma_wait3A_288 : memref<100x64xf32, #tpu.memory_space<hbm>>) dst(%arg14 : memref<512x64xf32, #tpu.memory_space<vmem>>)
    %dma_start3A_289 = arith.constant 64 : i32
    %dma_start3A_290 = tpu.memref_slice %arg6[%mul3A_2, %dma_start3A_289] : memref<16384x128xf32, #tpu.memory_space<hbm>> -> memref<512x64xf32, #tpu.memory_space<hbm>>
    %dma_start3A_291 = arith.constant 64 : i32
    %dma_start3A_292 = tpu.memref_slice %arg6[%mul3A_2, %dma_start3A_291] : memref<16384x128xf32, #tpu.memory_space<hbm>> -> memref<512x64xf32, #tpu.memory_space<hbm>>
    tpu.enqueue_dma source(%arg14 : memref<512x64xf32, #tpu.memory_space<vmem>>) target(%dma_start3A_292 : memref<512x64xf32, #tpu.memory_space<hbm>>) target_semaphore(%arg20 : memref<!tpu.dma_semaphore, #tpu.memory_space<semaphore_mem>>)
    %dma_wait3A_293 = arith.constant 0 : i32
    %dma_wait3A_294 = tpu.memref_slice %arg6[%mul3A_2, %dma_wait3A_293] : memref<16384x128xf32, #tpu.memory_space<hbm>> -> memref<512x64xf32, #tpu.memory_space<hbm>>
    %dma_wait3A_295 = arith.constant 0 : i32
    %dma_wait3A_296 = tpu.memref_slice %arg6[%mul3A_2, %dma_wait3A_295] : memref<16384x128xf32, #tpu.memory_space<hbm>> -> memref<512x64xf32, #tpu.memory_space<hbm>>
    tpu.wait_dma2 semaphore(%arg19 : memref<!tpu.dma_semaphore, #tpu.memory_space<semaphore_mem>>) src(%arg13 : memref<512x64xf32, #tpu.memory_space<vmem>>) dst(%dma_wait3A_296 : memref<512x64xf32, #tpu.memory_space<hbm>>)
    %dma_wait3A_297 = arith.constant 64 : i32
    %dma_wait3A_298 = tpu.memref_slice %arg6[%mul3A_2, %dma_wait3A_297] : memref<16384x128xf32, #tpu.memory_space<hbm>> -> memref<512x64xf32, #tpu.memory_space<hbm>>
    %dma_wait3A_299 = arith.constant 64 : i32
    %dma_wait3A_300 = tpu.memref_slice %arg6[%mul3A_2, %dma_wait3A_299] : memref<16384x128xf32, #tpu.memory_space<hbm>> -> memref<512x64xf32, #tpu.memory_space<hbm>>
    tpu.wait_dma2 semaphore(%arg20 : memref<!tpu.dma_semaphore, #tpu.memory_space<semaphore_mem>>) src(%arg14 : memref<512x64xf32, #tpu.memory_space<vmem>>) dst(%dma_wait3A_300 : memref<512x64xf32, #tpu.memory_space<hbm>>)
    %dma_wait3A_301 = arith.constant 0 : i32
    %dma_wait3A_302 = tpu.memref_slice %arg15[%dma_wait3A_301] : memref<16384xf32, #tpu.memory_space<vmem>> -> memref<4096xf32, #tpu.memory_space<vmem>>
    %dma_wait3A_303 = tpu.memref_slice %arg8[%add3A_177] : memref<1048576xf32, #tpu.memory_space<hbm>> -> memref<4096xf32, #tpu.memory_space<hbm>>
    %dma_wait3A_304 = tpu.memref_slice %arg8[%add3A_177] : memref<1048576xf32, #tpu.memory_space<hbm>> -> memref<4096xf32, #tpu.memory_space<hbm>>
    %dma_wait3A_305 = arith.constant 0 : i32
    %dma_wait3A_306 = tpu.memref_slice %arg15[%dma_wait3A_305] : memref<16384xf32, #tpu.memory_space<vmem>> -> memref<4096xf32, #tpu.memory_space<vmem>>
    tpu.wait_dma2 semaphore(%arg21 : memref<!tpu.dma_semaphore, #tpu.memory_space<semaphore_mem>>) src(%dma_wait3A_306 : memref<4096xf32, #tpu.memory_space<vmem>>) dst(%dma_wait3A_304 : memref<4096xf32, #tpu.memory_space<hbm>>)
    %dma_wait3A_307 = arith.constant 4096 : i32
    %dma_wait3A_308 = tpu.memref_slice %arg15[%dma_wait3A_307] : memref<16384xf32, #tpu.memory_space<vmem>> -> memref<4096xf32, #tpu.memory_space<vmem>>
    %dma_wait3A_309 = tpu.memref_slice %arg8[%add3A_187] : memref<1048576xf32, #tpu.memory_space<hbm>> -> memref<4096xf32, #tpu.memory_space<hbm>>
    %dma_wait3A_310 = tpu.memref_slice %arg8[%add3A_187] : memref<1048576xf32, #tpu.memory_space<hbm>> -> memref<4096xf32, #tpu.memory_space<hbm>>
    %dma_wait3A_311 = arith.constant 4096 : i32
    %dma_wait3A_312 = tpu.memref_slice %arg15[%dma_wait3A_311] : memref<16384xf32, #tpu.memory_space<vmem>> -> memref<4096xf32, #tpu.memory_space<vmem>>
    tpu.wait_dma2 semaphore(%arg21 : memref<!tpu.dma_semaphore, #tpu.memory_space<semaphore_mem>>) src(%dma_wait3A_312 : memref<4096xf32, #tpu.memory_space<vmem>>) dst(%dma_wait3A_310 : memref<4096xf32, #tpu.memory_space<hbm>>)
    %dma_wait3A_313 = arith.constant 8192 : i32
    %dma_wait3A_314 = tpu.memref_slice %arg15[%dma_wait3A_313] : memref<16384xf32, #tpu.memory_space<vmem>> -> memref<4096xf32, #tpu.memory_space<vmem>>
    %dma_wait3A_315 = tpu.memref_slice %arg8[%add3A_197] : memref<1048576xf32, #tpu.memory_space<hbm>> -> memref<4096xf32, #tpu.memory_space<hbm>>
    %dma_wait3A_316 = tpu.memref_slice %arg8[%add3A_197] : memref<1048576xf32, #tpu.memory_space<hbm>> -> memref<4096xf32, #tpu.memory_space<hbm>>
    %dma_wait3A_317 = arith.constant 8192 : i32
    %dma_wait3A_318 = tpu.memref_slice %arg15[%dma_wait3A_317] : memref<16384xf32, #tpu.memory_space<vmem>> -> memref<4096xf32, #tpu.memory_space<vmem>>
    tpu.wait_dma2 semaphore(%arg21 : memref<!tpu.dma_semaphore, #tpu.memory_space<semaphore_mem>>) src(%dma_wait3A_318 : memref<4096xf32, #tpu.memory_space<vmem>>) dst(%dma_wait3A_316 : memref<4096xf32, #tpu.memory_space<hbm>>)
    %dma_wait3A_319 = arith.constant 12288 : i32
    %dma_wait3A_320 = tpu.memref_slice %arg15[%dma_wait3A_319] : memref<16384xf32, #tpu.memory_space<vmem>> -> memref<4096xf32, #tpu.memory_space<vmem>>
    %dma_wait3A_321 = tpu.memref_slice %arg8[%add3A_207] : memref<1048576xf32, #tpu.memory_space<hbm>> -> memref<4096xf32, #tpu.memory_space<hbm>>
    %dma_wait3A_322 = tpu.memref_slice %arg8[%add3A_207] : memref<1048576xf32, #tpu.memory_space<hbm>> -> memref<4096xf32, #tpu.memory_space<hbm>>
    %dma_wait3A_323 = arith.constant 12288 : i32
    %dma_wait3A_324 = tpu.memref_slice %arg15[%dma_wait3A_323] : memref<16384xf32, #tpu.memory_space<vmem>> -> memref<4096xf32, #tpu.memory_space<vmem>>
    tpu.wait_dma2 semaphore(%arg21 : memref<!tpu.dma_semaphore, #tpu.memory_space<semaphore_mem>>) src(%dma_wait3A_324 : memref<4096xf32, #tpu.memory_space<vmem>>) dst(%dma_wait3A_322 : memref<4096xf32, #tpu.memory_space<hbm>>)
    %dma_wait3A_325 = arith.constant 0 : i32
    %dma_wait3A_326 = tpu.memref_slice %arg16[%dma_wait3A_325] : memref<16384xf32, #tpu.memory_space<vmem>> -> memref<4096xf32, #tpu.memory_space<vmem>>
    %dma_wait3A_327 = tpu.memref_slice %arg8[%add3A_249] : memref<1048576xf32, #tpu.memory_space<hbm>> -> memref<4096xf32, #tpu.memory_space<hbm>>
    %dma_wait3A_328 = tpu.memref_slice %arg8[%add3A_249] : memref<1048576xf32, #tpu.memory_space<hbm>> -> memref<4096xf32, #tpu.memory_space<hbm>>
    %dma_wait3A_329 = arith.constant 0 : i32
    %dma_wait3A_330 = tpu.memref_slice %arg16[%dma_wait3A_329] : memref<16384xf32, #tpu.memory_space<vmem>> -> memref<4096xf32, #tpu.memory_space<vmem>>
    tpu.wait_dma2 semaphore(%arg21 : memref<!tpu.dma_semaphore, #tpu.memory_space<semaphore_mem>>) src(%dma_wait3A_330 : memref<4096xf32, #tpu.memory_space<vmem>>) dst(%dma_wait3A_328 : memref<4096xf32, #tpu.memory_space<hbm>>)
    %dma_wait3A_331 = arith.constant 4096 : i32
    %dma_wait3A_332 = tpu.memref_slice %arg16[%dma_wait3A_331] : memref<16384xf32, #tpu.memory_space<vmem>> -> memref<4096xf32, #tpu.memory_space<vmem>>
    %dma_wait3A_333 = tpu.memref_slice %arg8[%add3A_259] : memref<1048576xf32, #tpu.memory_space<hbm>> -> memref<4096xf32, #tpu.memory_space<hbm>>
    %dma_wait3A_334 = tpu.memref_slice %arg8[%add3A_259] : memref<1048576xf32, #tpu.memory_space<hbm>> -> memref<4096xf32, #tpu.memory_space<hbm>>
    %dma_wait3A_335 = arith.constant 4096 : i32
    %dma_wait3A_336 = tpu.memref_slice %arg16[%dma_wait3A_335] : memref<16384xf32, #tpu.memory_space<vmem>> -> memref<4096xf32, #tpu.memory_space<vmem>>
    tpu.wait_dma2 semaphore(%arg21 : memref<!tpu.dma_semaphore, #tpu.memory_space<semaphore_mem>>) src(%dma_wait3A_336 : memref<4096xf32, #tpu.memory_space<vmem>>) dst(%dma_wait3A_334 : memref<4096xf32, #tpu.memory_space<hbm>>)
    %dma_wait3A_337 = arith.constant 8192 : i32
    %dma_wait3A_338 = tpu.memref_slice %arg16[%dma_wait3A_337] : memref<16384xf32, #tpu.memory_space<vmem>> -> memref<4096xf32, #tpu.memory_space<vmem>>
    %dma_wait3A_339 = tpu.memref_slice %arg8[%add3A_269] : memref<1048576xf32, #tpu.memory_space<hbm>> -> memref<4096xf32, #tpu.memory_space<hbm>>
    %dma_wait3A_340 = tpu.memref_slice %arg8[%add3A_269] : memref<1048576xf32, #tpu.memory_space<hbm>> -> memref<4096xf32, #tpu.memory_space<hbm>>
    %dma_wait3A_341 = arith.constant 8192 : i32
    %dma_wait3A_342 = tpu.memref_slice %arg16[%dma_wait3A_341] : memref<16384xf32, #tpu.memory_space<vmem>> -> memref<4096xf32, #tpu.memory_space<vmem>>
    tpu.wait_dma2 semaphore(%arg21 : memref<!tpu.dma_semaphore, #tpu.memory_space<semaphore_mem>>) src(%dma_wait3A_342 : memref<4096xf32, #tpu.memory_space<vmem>>) dst(%dma_wait3A_340 : memref<4096xf32, #tpu.memory_space<hbm>>)
    %dma_wait3A_343 = arith.constant 12288 : i32
    %dma_wait3A_344 = tpu.memref_slice %arg16[%dma_wait3A_343] : memref<16384xf32, #tpu.memory_space<vmem>> -> memref<4096xf32, #tpu.memory_space<vmem>>
    %dma_wait3A_345 = tpu.memref_slice %arg8[%add3A_279] : memref<1048576xf32, #tpu.memory_space<hbm>> -> memref<4096xf32, #tpu.memory_space<hbm>>
    %dma_wait3A_346 = tpu.memref_slice %arg8[%add3A_279] : memref<1048576xf32, #tpu.memory_space<hbm>> -> memref<4096xf32, #tpu.memory_space<hbm>>
    %dma_wait3A_347 = arith.constant 12288 : i32
    %dma_wait3A_348 = tpu.memref_slice %arg16[%dma_wait3A_347] : memref<16384xf32, #tpu.memory_space<vmem>> -> memref<4096xf32, #tpu.memory_space<vmem>>
    tpu.wait_dma2 semaphore(%arg21 : memref<!tpu.dma_semaphore, #tpu.memory_space<semaphore_mem>>) src(%dma_wait3A_348 : memref<4096xf32, #tpu.memory_space<vmem>>) dst(%dma_wait3A_346 : memref<4096xf32, #tpu.memory_space<hbm>>)
    return
  }
}

</mosaic_0001>

<sc_bundles>
// kernel: kernel.3.cloned.1.call-start
scs
__scs_entry_jumppad:
0x0: {  	(pc) =	sbr.rel $0x88, $3  }
0x1: {  	(tag) =	ssettag $0x0;
	lr =	simm.s32 $0x1  }
0x2: {  	[smem:$0x3F9D] =	sst lr;
	_ =	strace $0xD0000000  }
0x3: {  	_ = 	snop  }
0x4: {  	_ = 	snop  }
0x5: {  	_ = 	snop  }
0x6: {  	_ = 	snop  }
0x7: {  	_ = 	snop  }
__scs_overlays_trampoline_lowered:
0x8: {  	[smem:$0x3FAC] =	sst s0  }
0x9: {  	[smem:$0x3FAD] =	sst s1  }
0xa: {  	[smem:$0x3FAE] =	sst s2  }
0xb: {  	[smem:$0x3FAF] =	sst s3  }
0xc: {  	[smem:$0x3FB0] =	sst s4  }
0xd: {  	[smem:$0x3FB1] =	sst s5  }
0xe: {  	[smem:$0x3FB2] =	sst s6  }
0xf: {  	[smem:$0x3FB3] =	sst s7  }
0x10: {  	[smem:$0x3FB4] =	sst s8  }
0x11: {  	[smem:$0x3FB5] =	sst s9;
	s0 =	simm.s32 @!p0 $0x0  }
0x12: {  	s1 =	sld [smem:$0x3F9B];
	s0 =	simm.s32 @p0 $0x1  }
0x13: {  	[smem:$0x3FB6] =	sst s0;
	s0 =	simm.s32 @!p1 $0x0  }
0x14: {  	s2 =	sld [smem:$0x3F9A];
	s0 =	simm.s32 @p1 $0x1  }
0x15: {  	[smem:$0x3FB7] =	sst s0;
	s0 =	simm.s32 @!p2 $0x0  }
0x16: {  	s3 =	sld [smem:$0x3FDB];
	s0 =	simm.s32 @p2 $0x1  }
0x17: {  	s4 =	simm.s32 $0x1BF5;
	[smem:$0x3FB9] =	sst s0  }
0x18: {  	s0 =	sld [smem:$0x3F9C];
	_ =	swait.ge [sflag:s4], $0x0  }
0x19: {  	s7 =	sld [smem:$0x3F9D]  }
0x1a: {  	s8 =	sadd.s32 $0xFFFFE003, lr  }
0x1b: {  	s9 =	sadd.s32 $0xFFFFFEF7, lr;
	s5 =	simm.s32 $0xFFFFFFFF;
	p2 =	slt.u32 s8, $0xFFFFF086  }
0x1c: {  	p1 =	slt.u32 s9, $0xF7A;
	s5 =	simm.s32 @!p2 $0x0  }
0x1d: {  	s5 =	simm.s32 @p1 $0x1;
	p0 =	seq.s32 s7, s2  }
0x1e: {  	s7 =	smul.u32 @!p0 $0xF7A, s2;
	p2 =	seq.s32 @!p0 s5, $0x0  }
0x1f: {  	s9 =	smul.u32 $0xF7A, s1;
	s8 =	simm.s32 @!p0 $0x1BF5;
	p2 =	por !p2, p0  }
0x20: {  	[sflag:s8] =	ssyncset.s32 @!p0 $0xFFFFF086;
	s6 =	sadd.s32 @!p0 s3, s7;
	s7 =	simm.s32 @!p0 $0x108  }
0x21: {  	s3 =	sadd.s32 s3, s9;
	s6 =	sadd.s32 @!p0 $0x88, s6;
	s7 =	simm.s32 @p2 $0x1082  }
0x22: {  	[simem:s7], [sflag:s8] =	dma.local @!p0 [hbm:s6], $0xF7A  }
0x23: {  	s9 =	sor.u32 $0xD0000000, s2;
	s6 =	simm.s32 $0x108;
	_ =	swait.ge @!p0 [sflag:s8], $0x0  }
0x24: {  	s3 =	sadd.s32 $0x88, s3;
	s6 =	simm.s32 @!p1 $0x1082;
	[sflag:s4] =	ssyncset.s32 $0xFFFFF086  }
0x25: {  	[simem:s6], [sflag:s4] =	dma.local [hbm:s3], $0xF7A  }
0x26: {  	[smem:$0x3F9D] =	sst s1;
	(tag) =	ssettag s2;
	_ =	strace s9  }
0x27: {  	s1 =	sld [smem:$0x3FAD]  }
0x28: {  	s2 =	sld [smem:$0x3FAE]  }
0x29: {  	s4 =	sld [smem:$0x3FB0]  }
0x2a: {  	p0 =	seq.s32 s5, $0x0;
	s5 =	sld [smem:$0x3FB1]  }
0x2b: {  	s6 =	sld [smem:$0x3FB2]  }
0x2c: {  	s7 =	sld [smem:$0x3FB3]  }
0x2d: {  	s3 =	simm.s32 $0x108;
	s8 =	sld [smem:$0x3FB4]  }
0x2e: {  	s3 =	simm.s32 @!p0 $0x1082;
	s9 =	sld [smem:$0x3FB5]  }
0x2f: {  	lr =	sadd.s32 s0, s3;
	s0 =	sld [smem:$0x3FAC]  }
0x30: {  	s3 =	sld [smem:$0x3FAF]  }
0x31: {  	[smem:$0x3FB8] =	sst s10  }
0x32: {  	s10 =	sld [smem:$0x3FB6];
	_ =	sdelay $0x3  }
0x33: {  	p0 =	seq.s32 s10, $0x1;
	s10 =	sld [smem:$0x3FB8];
	_ =	sdelay $0x3  }
0x34: {  	[smem:$0x3FB8] =	sst s10  }
0x35: {  	s10 =	sld [smem:$0x3FB7];
	_ =	sdelay $0x3  }
0x36: {  	p1 =	seq.s32 s10, $0x1;
	s10 =	sld [smem:$0x3FB8];
	_ =	sdelay $0x3  }
0x37: {  	[smem:$0x3FB8] =	sst s10  }
0x38: {  	s10 =	sld [smem:$0x3FB9]  }
0x39: {  	_ = 	snop;
	(pc) =	sbr.ind lr, $3  }
0x3a: {  	_ = 	snop  }
0x3b: {  	_ = 	snop  }
0x3c: {  	p2 =	seq.s32 s10, $0x1;
	s10 =	sld [smem:$0x3FB8]  }
0x3d: {  	_ =	shalt  }
0x3e: {  	_ =	shalt  }
0x3f: {  	_ =	shalt  }
0x40: {  	_ =	shalt  }
0x41: {  	_ =	shalt  }
0x42: {  	_ =	shalt  }
0x43: {  	_ =	shalt  }
0x44: {  	_ =	shalt  }
0x45: {  	_ =	shalt  }
0x46: {  	_ =	shalt  }
0x47: {  	_ =	shalt  }
0x48: {  	_ =	shalt  }
0x49: {  	_ =	shalt  }
0x4a: {  	_ =	shalt  }
0x4b: {  	_ =	shalt  }
0x4c: {  	_ =	shalt  }
0x4d: {  	_ =	shalt  }
0x4e: {  	_ =	shalt  }
0x4f: {  	_ =	shalt  }
0x50: {  	_ =	shalt  }
0x51: {  	_ =	shalt  }
0x52: {  	_ =	shalt  }
0x53: {  	_ =	shalt  }
0x54: {  	_ =	shalt  }
0x55: {  	_ =	shalt  }
0x56: {  	_ =	shalt  }
0x57: {  	_ =	shalt  }
0x58: {  	_ =	shalt  }
0x59: {  	_ =	shalt  }
0x5a: {  	_ =	shalt  }
0x5b: {  	_ =	shalt  }
0x5c: {  	_ =	shalt  }
0x5d: {  	_ =	shalt  }
0x5e: {  	_ =	shalt  }
0x5f: {  	_ =	shalt  }
0x60: {  	_ =	shalt  }
0x61: {  	_ =	shalt  }
0x62: {  	_ =	shalt  }
0x63: {  	_ =	shalt  }
0x64: {  	_ =	shalt  }
0x65: {  	_ =	shalt  }
0x66: {  	_ =	shalt  }
0x67: {  	_ =	shalt  }
0x68: {  	_ =	shalt  }
0x69: {  	_ =	shalt  }
0x6a: {  	_ =	shalt  }
0x6b: {  	_ =	shalt  }
0x6c: {  	_ =	shalt  }
0x6d: {  	_ =	shalt  }
0x6e: {  	_ =	shalt  }
0x6f: {  	_ =	shalt  }
0x70: {  	_ =	shalt  }
0x71: {  	_ =	shalt  }
0x72: {  	_ =	shalt  }
0x73: {  	_ =	shalt  }
0x74: {  	_ =	shalt  }
0x75: {  	_ =	shalt  }
0x76: {  	_ =	shalt  }
0x77: {  	_ =	shalt  }
0x78: {  	_ =	shalt  }
0x79: {  	_ =	shalt  }
0x7a: {  	_ =	shalt  }
0x7b: {  	_ =	shalt  }
0x7c: {  	_ =	shalt  }
0x7d: {  	_ =	shalt  }
0x7e: {  	_ =	shalt  }
0x7f: {  	_ =	shalt  }
0x80: {  	_ =	shalt  }
0x81: {  	_ =	shalt  }
0x82: {  	_ =	shalt  }
0x83: {  	_ =	shalt  }
0x84: {  	_ =	shalt  }
0x85: {  	_ =	shalt  }
0x86: {  	_ =	shalt  }
0x87: {  	_ =	shalt  }
.Lfunc_end0:
.L_simem_size_0:
called_computation_lowered:
.L_overlay_start_0:
0x88: {  	s2 =	sld [smem:$0x3FD9]  }
0x89: {  	s3 =	sld [smem:$0x3FFE];
	_ =	sdelay $0x1  }
0x8a: {  	s1 =	srdreg.scid  }
0x8b: {  	s0 =	sand.u32 $0x1, s1  }
0x8c: {  	s14 =	sshll.u32 s0, $0xA;
	s2 =	sadd.s32 s3, s2  }
0x8d: {  	s2 =	sadd.s32 s2, s14  }
0x8e: {  	[smem:$0x3FC4] =	sst s2  }
0x8f: {  	_ = 	snop  }
0x90: {  	s2 =	sld [smem:$0x3FD0];
	_ =	sdelay $0x1  }
0x91: {  	s15 =	sld [smem:$0x3FC9]  }
0x92: {  	s5 =	simm.s32 $0xA;
	s6 =	simm.s32 $0x10;
	s4 =	sld [smem:$0x3FC8]  }
0x93: {  	[smem:s6], [sflag:s5] =	dma.local [hbm:s2], $0x1  }
0x94: {  	_ =	swait.eq [sflag:s5], $0x1  }
0x95: {  	s16 =	sld [smem:$0x10];
	[sflag:s5] =	ssyncset.done $0x0  }
0x96: {  	s17 =	sld [smem:$0x11];
	[sflag:s5] =	ssyncadd.s32 $0xFFFFFFFF  }
0x97: {  	s18 =	sld [smem:$0x12];
	(tm) =	ssettm $0x1  }
0x98: {  	s7 =	sld [smem:$0x3FFB];
	_ =	sdelay $0x3  }
0x99: {  	_ =	strace s7  }
0x9a: {  	s7 =	sld [smem:$0x3FFC];
	_ =	sdelay $0x3  }
0x9b: {  	_ =	strace s7  }
0x9c: {  	s7 =	sld [smem:$0x3FFD];
	_ =	sdelay $0x3  }
0x9d: {  	_ =	strace s7  }
0x9e: {  	_ =	strace $0x8FFFFFFF  }
0x9f: {  	s19 =	sld [smem:$0x3FDB];
	_ =	sdelay $0x1  }
0xa0: {  	s8 =	simm.s32 $_scs_section_size  }
0xa1: {  	s9 =	simm.s32 $_size__tile_overlayer_lowered;
	s10 =	simm.s32 $_tile_overlayer_lowered  }
0xa2: {  	s22 =	simm.s32 $0x1BFF;
	s21 =	sshll.u32 s10, $0x1;
	s7 =	sadd.s32 s8, s19  }
0xa3: {  	s11 =	simm.s32 $0x0;
	s20 =	sshll.u32 s9, $0x1;
	s9 =	sadd.s32 s21, s7  }
0xa4: {  	[timem:s11], [sflag:s22] =	dma.local [hbm:s9], s20  }
0xa5: {  	_ =	swait.ge [sflag:s22], s20  }
0xa6: {  	s8 =	ssub.s32 $0x0, s20;
	[sflag:s22] =	ssyncset.done $0x0  }
0xa7: {  	[sflag:s22] =	ssyncadd.s32 s8;
	_ =	sdelay $0x1  }
0xa8: {  	s23 =	simm.s32 $0x1B8B  }
0xa9: {  	_ =	swait.ge [sflag:s23], $0x1  }
0xaa: {  	[sflag:s23] =	ssyncset.done $0x0  }
0xab: {  	s25 =	simm.s32 $0x1B8E;
	s24 =	sld [smem:$0x3FFE];
	[sflag:s23] =	ssyncadd.s32 $0xFFFFFFFF  }
0xac: {  	s26 =	simm.s32 $execute0_lowered;
	[smem:$0x3FD2] =	sst s25  }
0xad: {  	s9 =	sshll.u32 s26, $0x1;
	_ =	strace $0x80000046;
	[dreg:$0x1] =	wrdreg $0xFFFFFFFF  }
0xae: {  	s28 =	simm.s32 $_size_execute0_lowered;
	s7 =	sadd.s32 s7, s9;
	[dreg:$0x0] =	wrdreg $0x0  }
0xaf: {  	s9 =	sshll.u32 s28, $0x1;
	[dreg:$0x2] =	wrdreg s7  }
0xb0: {  	[dreg:$0x3] =	wrdreg s9  }
0xb1: {  	[dreg:$0x4] =	wrdreg $0xC0  }
0xb2: {  	_ =	task [dreg:s11], $0x5FFFF  }
0xb3: {  	[dreg:$0x1] =	wrdreg $0xFFFFFFFF  }
0xb4: {  	[dreg:$0x0] =	wrdreg $0x60  }
0xb5: {  	[dreg:$0x2] =	wrdreg s15  }
0xb6: {  	[dreg:$0x3] =	wrdreg s4  }
0xb7: {  	[dreg:$0x4] =	wrdreg s24  }
0xb8: {  	[dreg:$0x5] =	wrdreg s16  }
0xb9: {  	[dreg:$0x6] =	wrdreg s17  }
0xba: {  	[dreg:$0x7] =	wrdreg s18  }
0xbb: {  	[dreg:$0x8] =	wrdreg $0x9  }
0xbc: {  	_ =	task.clear_ibuf [dreg:s11], $0x9FFFF;
	_ =	strace $0x90000046  }
0xbd: {  	s29 =	simm.s32 $0x9;
	_ =	strace $0x80000048  }
0xbe: {  	_ =	swait.ge [sflag:s29], $0x1  }
0xbf: {  	[sflag:s29] =	ssyncadd.s32 $0xFFFFFFFF  }
0xc0: {  	_ =	strace $0x90000048  }
0xc1: {  	_ =	sfence  }
0xc2: {  	s30 =	sld [smem:$0x0];
	_ =	sdelay $0x2  }
0xc3: {  	s31 =	sshll.u32 s1, $0xD;
	s1 =	sshrl.u32 s1, $0x2  }
0xc4: {  	s3 =	sand.u32 $0x4000, s31;
	s1 =	sadd.s32 s1, s30  }
0xc5: {  	s0 =	sor.u32 s3, s0;
	s1 =	sshll.u32 s1, $0x11  }
0xc6: {  	s0 =	sor.u32 s1, s0  }
0xc7: {  	s0 =	sadd.s32 $0x8F2B, s0  }
0xc8: {  	[sflag:s0] =	ssyncadd.remote.s32 $0x1  }
0xc9: {  	_ =	sfence.sel $0xFFFF  }
0xca: {  	[dreg:$0x0] =	wrdreg $0xFFFFFFFF;
	(pc) =	sbr.abs _section_cstart, $3  }
0xcb: {  	[dreg:$0x1] =	wrdreg $0xFFFFFFFF  }
0xcc: {  	_ =	task.clear_ibuf [dreg:s11], $0x2FFFF;
	_ =	strace $0x9FFFFFFF  }
0xcd: {  	(tm) =	ssettm $0x7FFFFFFF  }
tec
execute0_lowered:
.L_overlay_start_1:
0x0: {  	(tag) =	ssettag $0x1  }
0x1: {  	s0 =	rddreg [dreg:$0x0]  }
0x2: {  	s1 =	rddreg [dreg:$0x1]  }
0x3: {  	s4 =	rddreg [dreg:$0x2]  }
0x4: {  	s5 =	rddreg [dreg:$0x3]  }
0x5: {  	s6 =	rddreg [dreg:$0x4]  }
0x6: {  	s7 =	rddreg [dreg:$0x5];
	s2 =	simm.s32 $0x0;
	s3 =	srdreg.scid  }
0x7: {  	s10 =	stileid.u32;
	s28 =	simm.s32 $0x1;
	s31 =	simm.s32 $0x2  }
0x8: {  	s29 =	simm.s32 $0x0;
	[smem:$0x7FF] =	sst s2;
	s8 =	sand.u32 $0x1, s3  }
0x9: {  	s10 =	sshll.u32 s10, $0x1;
	s3 =	sadd.s32 $0x800, s4;
	s4 =	sadd.s32 $0xC00, s4  }
0xa: {  	_ =	strace $0x80000047;
	s9 =	ssub.s32 $0x2, s8;
	s8 =	sor.u32 s8, s10  }
0xb: {  	s11 =	sshrl.u32 s9, $0x1;
	s10 =	sshll.u32 s8, $0x6;
	s24 =	sshll.u32 s8, $0x9  }
0xc: {  	s8 =	sshll.u32 s8, $0xD;
	s9 =	ssub.s32 s9, s11;
	s0 =	sadd.s32 s0, s10  }
0xd: {  	s23 =	sadd.s32 s1, s10;
	s25 =	sadd.s32 s6, s24;
	[dreg:$0x7] =	wrdreg s0  }
0xe: {  	s26 =	sor.u32 $0x4000, s24;
	s30 =	sor.u32 $0x8000, s24;
	[dreg:$0x8] =	wrdreg s23  }
0xf: {  	s17 =	sor.u32 $0xC000, s24;
	[dreg:$0x9] =	wrdreg s25;
	s15 =	sadd.s32 s6, s26  }
0x10: {  	s18 =	sor.u32 $0x10000, s24;
	s16 =	sadd.s32 s6, s30;
	[dreg:$0xa] =	wrdreg s15  }
0x11: {  	s14 =	sor.u32 $0x14000, s24;
	s12 =	sadd.s32 s6, s17;
	[dreg:$0xb] =	wrdreg s16  }
0x12: {  	s10 =	simm.s32 $0x19C40;
	s13 =	sadd.s32 s6, s18;
	[dreg:$0xc] =	wrdreg s12  }
0x13: {  	s11 =	simm.s32 $0x1AC40;
	s19 =	sadd.s32 s6, s14;
	[dreg:$0xd] =	wrdreg s13  }
0x14: {  	s0 =	sadd.s32 s7, s24;
	s22 =	sadd.s32 s7, s26;
	[dreg:$0xe] =	wrdreg s19  }
0x15: {  	s23 =	sadd.s32 s7, s30;
	s25 =	sadd.s32 s7, s18;
	[dreg:$0x11] =	wrdreg s0  }
0x16: {  	s26 =	sadd.s32 s7, s14;
	s14 =	simm.s32 $0x40;
	[dreg:$0x12] =	wrdreg s22  }
0x17: {  	s18 =	simm.s32 $0x4;
	s15 =	sor.u32 $0x18000, s24;
	[dreg:$0x13] =	wrdreg s23  }
0x18: {  	s16 =	sor.u32 $0x1C000, s24;
	s13 =	sadd.s32 s5, s8;
	[dreg:$0x15] =	wrdreg s25  }
0x19: {  	s24 =	sadd.s32 s7, s17;
	[dreg:$0x16] =	wrdreg s26;
	s25 =	smax.u32 s9, $0x1  }
0x1a: {  	s26 =	simm.s32 $0x200;
	s22 =	simm.s32 $0xBC40;
	s0 =	simm.s32 $0x400  }
0x1b: {  	s5 =	simm.s32 $0x14C40;
	s8 =	simm.s32 $0x17C40;
	s9 =	simm.s32 $0x18C40  }
0x1c: {  	s12 =	simm.s32 $0x3;
	s17 =	simm.s32 $0x2020;
	s20 =	sadd.s32 s6, s15  }
0x1d: {  	s21 =	sadd.s32 s6, s16;
	[dreg:$0x14] =	wrdreg s24;
	s30 =	sadd.s32 s7, s15  }
0x1e: {  	s23 =	sadd.s32 s7, s16;
	s24 =	sadd.s32 $0x8, s13;
	[dreg:$0xf] =	wrdreg s20  }
0x1f: {  	s6 =	simm.s32 $0x15C40;
	s7 =	simm.s32 $0x16C40;
	[dreg:$0x10] =	wrdreg s21  }
0x20: {  	s15 =	simm.s32 $0x80;
	s16 =	simm.s32 $0x5;
	[dreg:$0x17] =	wrdreg s30  }
.LBB2_1:
0x21: {  	s1 =	rddreg [dreg:$0x7]  }
0x22: {  	[tilespmem:s2], [sflag:$0x1] =	stream.linear.gather [hbm4b:s1+s2], $0x200, $0x38;
	[tilespmem:$0x1BC40] =	vst v63  }
0x23: {  	s30 =	rddreg [dreg:$0x8];
	s19 =	simm.s32 $0x400;
	s20 =	simm.s32 $0x0  }
0x24: {  	[tilespmem:s26], [sflag:$0x1] =	stream.linear.gather [hbm4b:s30+s2], $0x200, $0x38;
	[tilespmem:$0x1BC40] =	vst v63  }
.LBB2_2:
0x25: {  	p0 =	sne.s32 s20, $0x318  }
.Ltmp0:
0x26: {  	_ = 	snop;
	(pc) =	sbr.rel @p0 .LBB2_2-.Ltmp0, $4  }
0x27: {  	_ = 	snop  }
0x28: {  	s21 =	sadd.s32 s20, s3;
	s30 =	simm.s32 $0x0  }
0x29: {  	[tilespmem:s19], [sflag:$0x2] =	stream.linear.gather [hbm4b:s21+s30], $0x40, $0x38;
	[tilespmem:$0x1BC40] =	vst v63  }
0x2a: {  	s20 =	sadd.s32 $0x8, s20;
	s19 =	sadd.s32 $0x48, s19  }
0x2b: {  	s19 =	simm.s32 $0x2020  }
0x2c: {  	s20 =	simm.s32 $0x8;
	s30 =	sadd.s32 $0x0, s4;
	s21 =	simm.s32 $0x2068  }
.LBB2_4:
0x2d: {  	[tilespmem:s19], [sflag:$0x2] =	stream.linear.gather [hbm4b:s30+s2], $0x40, $0x38;
	[tilespmem:$0x1BC40] =	vst v63  }
0x2e: {  	s30 =	smov.u32 s20;
	s19 =	smov.u32 s21;
	p0 =	sne.s32 s20, $0x318  }
.Ltmp1:
0x2f: {  	s20 =	sadd.s32 $0x8, s20;
	(pc) =	sbr.rel @p0 .LBB2_4-.Ltmp1, $2  }
0x30: {  	_ =	sdelay $0x2  }
0x31: {  	s21 =	sadd.s32 $0x48, s21;
	s30 =	sadd.s32 s30, s4  }
0x32: {  	[tilespmem:s19], [sflag:$0x2] =	stream.linear.gather [hbm4b:s30+s2], $0x40, $0x38;
	[tilespmem:$0x1BC40] =	vst v63  }
0x33: {  	_ =	swait.ge [sflag:s28], $0x200  }
0x34: {  	[sflag:s28] =	ssyncset.done $0x0  }
0x35: {  	s19 =	simm.s32 $0x0;
	s1 =	simm.s32 $0x3C40;
	[sflag:s28] =	ssyncadd.s32 $0xFFFFFE00  }
0x36: {  	[tilespmem:s1], [sflag:$0x3] =	stream.indirect.gather [hbm4b:s3+s26], $0x40, s19, s26, $0xb8;
	[tilespmem:$0x1BC40] =	vst v63  }
0x37: {  	_ =	swait.ge [sflag:s28], $0x200  }
0x38: {  	[sflag:s28] =	ssyncset.done $0x0  }
0x39: {  	[sflag:s28] =	ssyncadd.s32 $0xFFFFFE00  }
0x3a: {  	[tilespmem:s22], [sflag:$0x4] =	stream.indirect.gather [hbm4b:s4+s26], $0x40, s26, s26, $0xb8;
	[tilespmem:$0x1BC40] =	vst v63  }
0x3b: {  	_ =	swait.ge [sflag:s31], $0x1900  }
0x3c: {  	[sflag:s31] =	ssyncset.done $0x0  }
0x3d: {  	s30 =	simm.s32 $0x0;
	[sflag:s31] =	ssyncadd.s32 $0xFFFFE700  }
.LBB2_6:
0x3e: {  	s21 =	sshra.s32 s19, $0x2  }
0x3f: {  	v0 =	vld [tilespmem:s21+$0x0];
	_ =	sdelay $0x4  }
0x40: {  	v0 =	vmul.u32 $0x48, v0;
	_ =	sdelay $0x1  }
0x41: {  	v1 =	vor.u32 $0x1, v0  }
0x42: {  	v2 =	vor.u32 $0x2, v0  }
0x43: {  	v3 =	vor.u32 $0x3, v0  }
0x44: {  	v4 =	vor.u32 $0x4, v0  }
0x45: {  	v6 =	vor.u32 $0x5, v0;
	v5 =	vld.idx.msk [tilespmem:v0+s0+$0x0], $0xffff  }
0x46: {  	s20 =	sshrl.u32 s30, $0x3;
	v7 =	vor.u32 $0x6, v0;
	v1 =	vld.idx.msk [tilespmem:v1+s0+$0x0], $0xffff  }
0x47: {  	s20 =	smul.u32 $0xE00, s20;
	v8 =	vor.u32 $0x7, v0;
	v2 =	vld.idx.msk [tilespmem:v2+s0+$0x0], $0xffff  }
0x48: {  	v3 =	vld.idx.msk [tilespmem:v3+s0+$0x0], $0xffff  }
0x49: {  	s22 =	sadd.s32 s19, s20;
	v4 =	vld.idx.msk [tilespmem:v4+s0+$0x0], $0xffff  }
0x4a: {  	s1 =	sshra.s32 s20, $0x2;
	s22 =	sadd.s32 $0xCE00, s22;
	v6 =	vld.idx.msk [tilespmem:v6+s0+$0x0], $0xffff  }
0x4b: {  	s1 =	sadd.s32 s1, s21;
	s22 =	sshra.s32 s22, $0x2;
	v7 =	vld.idx.msk [tilespmem:v7+s0+$0x0], $0xffff  }
0x4c: {  	s21 =	sadd.s32 $0x13C40, s1;
	v8 =	vld.idx.msk [tilespmem:v8+s0+$0x0], $0xffff;
	[tilespmem:s22+$0x108C0] =	vst v5  }
0x4d: {  	[tilespmem:s21+$0x80] =	vst v1  }
0x4e: {  	[tilespmem:s21+$0x100] =	vst v2  }
0x4f: {  	v41 =	vadd.s32 $0x8, v0;
	[tilespmem:s21+$0x180] =	vst v3  }
0x50: {  	v42 =	vadd.s32 $0x9, v0;
	[tilespmem:s21+$0x200] =	vst v4  }
0x51: {  	v43 =	vadd.s32 $0xA, v0;
	[tilespmem:s21+$0x280] =	vst v6  }
0x52: {  	v44 =	vadd.s32 $0xB, v0;
	[tilespmem:s21+$0x300] =	vst v7  }
0x53: {  	v45 =	vadd.s32 $0xC, v0;
	[tilespmem:s21+$0x380] =	vst v8  }
0x54: {  	v46 =	vadd.s32 $0xD, v0;
	v1 =	vld.idx.msk [tilespmem:v41+s0+$0x0], $0xffff  }
0x55: {  	v47 =	vadd.s32 $0xE, v0;
	v2 =	vld.idx.msk [tilespmem:v42+s0+$0x0], $0xffff  }
0x56: {  	v48 =	vadd.s32 $0xF, v0;
	v3 =	vld.idx.msk [tilespmem:v43+s0+$0x0], $0xffff  }
0x57: {  	v4 =	vld.idx.msk [tilespmem:v44+s0+$0x0], $0xffff  }
0x58: {  	v5 =	vld.idx.msk [tilespmem:v45+s0+$0x0], $0xffff  }
0x59: {  	v6 =	vld.idx.msk [tilespmem:v46+s0+$0x0], $0xffff  }
0x5a: {  	v7 =	vld.idx.msk [tilespmem:v47+s0+$0x0], $0xffff  }
0x5b: {  	v8 =	vld.idx.msk [tilespmem:v48+s0+$0x0], $0xffff;
	[tilespmem:s21+$0x1000] =	vst v1  }
0x5c: {  	[tilespmem:s21+$0x1080] =	vst v2  }
0x5d: {  	[tilespmem:s21+$0x1100] =	vst v3  }
0x5e: {  	v49 =	vadd.s32 $0x10, v0;
	[tilespmem:s21+$0x1180] =	vst v4  }
0x5f: {  	v50 =	vadd.s32 $0x11, v0;
	[tilespmem:s21+$0x1200] =	vst v5  }
0x60: {  	v51 =	vadd.s32 $0x12, v0;
	[tilespmem:s21+$0x1280] =	vst v6  }
0x61: {  	v52 =	vadd.s32 $0x13, v0;
	[tilespmem:s21+$0x1300] =	vst v7  }
0x62: {  	v53 =	vadd.s32 $0x14, v0;
	[tilespmem:s21+$0x1380] =	vst v8  }
0x63: {  	v54 =	vadd.s32 $0x15, v0;
	v1 =	vld.idx.msk [tilespmem:v49+s0+$0x0], $0xffff  }
0x64: {  	v55 =	vadd.s32 $0x16, v0;
	v2 =	vld.idx.msk [tilespmem:v50+s0+$0x0], $0xffff  }
0x65: {  	v56 =	vadd.s32 $0x17, v0;
	v3 =	vld.idx.msk [tilespmem:v51+s0+$0x0], $0xffff  }
0x66: {  	v4 =	vld.idx.msk [tilespmem:v52+s0+$0x0], $0xffff  }
0x67: {  	v5 =	vld.idx.msk [tilespmem:v53+s0+$0x0], $0xffff  }
0x68: {  	v6 =	vld.idx.msk [tilespmem:v54+s0+$0x0], $0xffff  }
0x69: {  	v7 =	vld.idx.msk [tilespmem:v55+s0+$0x0], $0xffff  }
0x6a: {  	v8 =	vld.idx.msk [tilespmem:v56+s0+$0x0], $0xffff;
	[tilespmem:s21+$0x2000] =	vst v1  }
0x6b: {  	[tilespmem:s21+$0x2080] =	vst v2  }
0x6c: {  	[tilespmem:s21+$0x2100] =	vst v3  }
0x6d: {  	v57 =	vadd.s32 $0x18, v0;
	[tilespmem:s21+$0x2180] =	vst v4  }
0x6e: {  	v58 =	vadd.s32 $0x19, v0;
	[tilespmem:s21+$0x2200] =	vst v5  }
0x6f: {  	v59 =	vadd.s32 $0x1A, v0;
	[tilespmem:s21+$0x2280] =	vst v6  }
0x70: {  	v60 =	vadd.s32 $0x1B, v0;
	[tilespmem:s21+$0x2300] =	vst v7  }
0x71: {  	v61 =	vadd.s32 $0x1C, v0;
	[tilespmem:s21+$0x2380] =	vst v8  }
0x72: {  	v62 =	vadd.s32 $0x1D, v0;
	v1 =	vld.idx.msk [tilespmem:v57+s0+$0x0], $0xffff  }
0x73: {  	v63 =	vadd.s32 $0x1E, v0;
	v2 =	vld.idx.msk [tilespmem:v58+s0+$0x0], $0xffff  }
0x74: {  	v0 =	vadd.s32 $0x1F, v0;
	v3 =	vld.idx.msk [tilespmem:v59+s0+$0x0], $0xffff  }
0x75: {  	v4 =	vld.idx.msk [tilespmem:v60+s0+$0x0], $0xffff  }
0x76: {  	v5 =	vld.idx.msk [tilespmem:v61+s0+$0x0], $0xffff  }
0x77: {  	v6 =	vld.idx.msk [tilespmem:v62+s0+$0x0], $0xffff  }
0x78: {  	v7 =	vld.idx.msk [tilespmem:v63+s0+$0x0], $0xffff  }
0x79: {  	v0 =	vld.idx.msk [tilespmem:v0+s0+$0x0], $0xffff;
	[tilespmem:s21+$0x3000] =	vst v1  }
0x7a: {  	[tilespmem:s21+$0x3080] =	vst v2  }
0x7b: {  	p0 =	sne.s32 s19, $0x7C0;
	[tilespmem:s21+$0x3100] =	vst v3  }
.Ltmp2:
0x7c: {  	[tilespmem:s21+$0x3180] =	vst v4;
	(pc) =	sbr.rel @p0 .LBB2_6-.Ltmp2, $4  }
0x7d: {  	[tilespmem:s21+$0x3200] =	vst v5  }
0x7e: {  	[tilespmem:s21+$0x3280] =	vst v6  }
0x7f: {  	[tilespmem:s21+$0x3300] =	vst v7  }
0x80: {  	s30 =	sadd.s32 $0x1, s30;
	s19 =	sadd.s32 $0x40, s19;
	[tilespmem:s22+$0x13C40] =	vst v0  }
0x81: {  	s19 =	simm.s32 $0x0;
	s1 =	rddreg [dreg:$0x9];
	s20 =	simm.s32 $0x13C40  }
0x82: {  	[hbm4b:s1+s19] =	stream.linear.scatter [tilespmem:s20], [sflag:$0x5], $0x1000, $0x38;
	[tilespmem:$0x1BC40] =	vst v63  }
0x83: {  	s20 =	rddreg [dreg:$0xa]  }
0x84: {  	[hbm4b:s20+s19] =	stream.linear.scatter [tilespmem:s5], [sflag:$0x5], $0x1000, $0x38;
	[tilespmem:$0x1BC40] =	vst v63  }
0x85: {  	s21 =	rddreg [dreg:$0xb]  }
0x86: {  	[hbm4b:s21+s19] =	stream.linear.scatter [tilespmem:s6], [sflag:$0x5], $0x1000, $0x38;
	[tilespmem:$0x1BC40] =	vst v63  }
0x87: {  	s22 =	rddreg [dreg:$0xc];
	s30 =	simm.s32 $0x0  }
0x88: {  	[hbm4b:s22+s19] =	stream.linear.scatter [tilespmem:s7], [sflag:$0x5], $0x1000, $0x38;
	[tilespmem:$0x1BC40] =	vst v63  }
.LBB2_8:
0x89: {  	s1 =	sshra.s32 s19, $0x2  }
0x8a: {  	v0 =	vld [tilespmem:s1+$0x0];
	_ =	sdelay $0x4  }
0x8b: {  	v0 =	vmul.u32 $0x48, v0;
	_ =	sdelay $0x1  }
0x8c: {  	v1 =	vadd.s32 $0x20, v0  }
0x8d: {  	v2 =	vadd.s32 $0x21, v0  }
0x8e: {  	v3 =	vadd.s32 $0x22, v0  }
0x8f: {  	v4 =	vadd.s32 $0x23, v0  }
0x90: {  	v5 =	vadd.s32 $0x24, v0  }
0x91: {  	v6 =	vadd.s32 $0x25, v0;
	v1 =	vld.idx.msk [tilespmem:v1+s0+$0x0], $0xffff  }
0x92: {  	s20 =	sshrl.u32 s30, $0x3;
	v7 =	vadd.s32 $0x26, v0;
	v2 =	vld.idx.msk [tilespmem:v2+s0+$0x0], $0xffff  }
0x93: {  	s20 =	smul.u32 $0xE00, s20;
	v8 =	vadd.s32 $0x27, v0;
	v3 =	vld.idx.msk [tilespmem:v3+s0+$0x0], $0xffff  }
0x94: {  	v4 =	vld.idx.msk [tilespmem:v4+s0+$0x0], $0xffff  }
0x95: {  	s21 =	sadd.s32 s19, s20;
	v5 =	vld.idx.msk [tilespmem:v5+s0+$0x0], $0xffff  }
0x96: {  	s22 =	sshra.s32 s20, $0x2;
	s21 =	sadd.s32 $0xCE00, s21;
	v6 =	vld.idx.msk [tilespmem:v6+s0+$0x0], $0xffff  }
0x97: {  	s1 =	sadd.s32 s22, s1;
	s20 =	sshra.s32 s21, $0x2;
	v7 =	vld.idx.msk [tilespmem:v7+s0+$0x0], $0xffff  }
0x98: {  	s22 =	sadd.s32 $0x17C40, s1;
	v8 =	vld.idx.msk [tilespmem:v8+s0+$0x0], $0xffff;
	[tilespmem:s20+$0x148C0] =	vst v1  }
0x99: {  	[tilespmem:s22+$0x80] =	vst v2  }
0x9a: {  	[tilespmem:s22+$0x100] =	vst v3  }
0x9b: {  	v41 =	vadd.s32 $0x28, v0;
	[tilespmem:s22+$0x180] =	vst v4  }
0x9c: {  	v42 =	vadd.s32 $0x29, v0;
	[tilespmem:s22+$0x200] =	vst v5  }
0x9d: {  	v43 =	vadd.s32 $0x2A, v0;
	[tilespmem:s22+$0x280] =	vst v6  }
0x9e: {  	v44 =	vadd.s32 $0x2B, v0;
	[tilespmem:s22+$0x300] =	vst v7  }
0x9f: {  	v45 =	vadd.s32 $0x2C, v0;
	[tilespmem:s22+$0x380] =	vst v8  }
0xa0: {  	v46 =	vadd.s32 $0x2D, v0;
	v1 =	vld.idx.msk [tilespmem:v41+s0+$0x0], $0xffff  }
0xa1: {  	v47 =	vadd.s32 $0x2E, v0;
	v2 =	vld.idx.msk [tilespmem:v42+s0+$0x0], $0xffff  }
0xa2: {  	v48 =	vadd.s32 $0x2F, v0;
	v3 =	vld.idx.msk [tilespmem:v43+s0+$0x0], $0xffff  }
0xa3: {  	v4 =	vld.idx.msk [tilespmem:v44+s0+$0x0], $0xffff  }
0xa4: {  	v5 =	vld.idx.msk [tilespmem:v45+s0+$0x0], $0xffff  }
0xa5: {  	v6 =	vld.idx.msk [tilespmem:v46+s0+$0x0], $0xffff  }
0xa6: {  	v7 =	vld.idx.msk [tilespmem:v47+s0+$0x0], $0xffff  }
0xa7: {  	v8 =	vld.idx.msk [tilespmem:v48+s0+$0x0], $0xffff;
	[tilespmem:s22+$0x1000] =	vst v1  }
0xa8: {  	[tilespmem:s22+$0x1080] =	vst v2  }
0xa9: {  	[tilespmem:s22+$0x1100] =	vst v3  }
0xaa: {  	v49 =	vadd.s32 $0x30, v0;
	[tilespmem:s22+$0x1180] =	vst v4  }
0xab: {  	v50 =	vadd.s32 $0x31, v0;
	[tilespmem:s22+$0x1200] =	vst v5  }
0xac: {  	v51 =	vadd.s32 $0x32, v0;
	[tilespmem:s22+$0x1280] =	vst v6  }
0xad: {  	v52 =	vadd.s32 $0x33, v0;
	[tilespmem:s22+$0x1300] =	vst v7  }
0xae: {  	v53 =	vadd.s32 $0x34, v0;
	[tilespmem:s22+$0x1380] =	vst v8  }
0xaf: {  	v54 =	vadd.s32 $0x35, v0;
	v1 =	vld.idx.msk [tilespmem:v49+s0+$0x0], $0xffff  }
0xb0: {  	v55 =	vadd.s32 $0x36, v0;
	v2 =	vld.idx.msk [tilespmem:v50+s0+$0x0], $0xffff  }
0xb1: {  	v56 =	vadd.s32 $0x37, v0;
	v3 =	vld.idx.msk [tilespmem:v51+s0+$0x0], $0xffff  }
0xb2: {  	v4 =	vld.idx.msk [tilespmem:v52+s0+$0x0], $0xffff  }
0xb3: {  	v5 =	vld.idx.msk [tilespmem:v53+s0+$0x0], $0xffff  }
0xb4: {  	v6 =	vld.idx.msk [tilespmem:v54+s0+$0x0], $0xffff  }
0xb5: {  	v7 =	vld.idx.msk [tilespmem:v55+s0+$0x0], $0xffff  }
0xb6: {  	v8 =	vld.idx.msk [tilespmem:v56+s0+$0x0], $0xffff;
	[tilespmem:s22+$0x2000] =	vst v1  }
0xb7: {  	[tilespmem:s22+$0x2080] =	vst v2  }
0xb8: {  	[tilespmem:s22+$0x2100] =	vst v3  }
0xb9: {  	v57 =	vadd.s32 $0x38, v0;
	[tilespmem:s22+$0x2180] =	vst v4  }
0xba: {  	v58 =	vadd.s32 $0x39, v0;
	[tilespmem:s22+$0x2200] =	vst v5  }
0xbb: {  	v59 =	vadd.s32 $0x3A, v0;
	[tilespmem:s22+$0x2280] =	vst v6  }
0xbc: {  	v60 =	vadd.s32 $0x3B, v0;
	[tilespmem:s22+$0x2300] =	vst v7  }
0xbd: {  	v61 =	vadd.s32 $0x3C, v0;
	[tilespmem:s22+$0x2380] =	vst v8  }
0xbe: {  	v62 =	vadd.s32 $0x3D, v0;
	v1 =	vld.idx.msk [tilespmem:v57+s0+$0x0], $0xffff  }
0xbf: {  	v63 =	vadd.s32 $0x3E, v0;
	v2 =	vld.idx.msk [tilespmem:v58+s0+$0x0], $0xffff  }
0xc0: {  	v0 =	vadd.s32 $0x3F, v0;
	v3 =	vld.idx.msk [tilespmem:v59+s0+$0x0], $0xffff  }
0xc1: {  	v4 =	vld.idx.msk [tilespmem:v60+s0+$0x0], $0xffff  }
0xc2: {  	v5 =	vld.idx.msk [tilespmem:v61+s0+$0x0], $0xffff  }
0xc3: {  	v6 =	vld.idx.msk [tilespmem:v62+s0+$0x0], $0xffff  }
0xc4: {  	v7 =	vld.idx.msk [tilespmem:v63+s0+$0x0], $0xffff  }
0xc5: {  	v0 =	vld.idx.msk [tilespmem:v0+s0+$0x0], $0xffff;
	[tilespmem:s22+$0x3000] =	vst v1  }
0xc6: {  	[tilespmem:s22+$0x3080] =	vst v2  }
0xc7: {  	p0 =	sne.s32 s19, $0x7C0;
	[tilespmem:s22+$0x3100] =	vst v3  }
.Ltmp3:
0xc8: {  	[tilespmem:s22+$0x3180] =	vst v4;
	(pc) =	sbr.rel @p0 .LBB2_8-.Ltmp3, $4  }
0xc9: {  	[tilespmem:s22+$0x3200] =	vst v5  }
0xca: {  	[tilespmem:s22+$0x3280] =	vst v6  }
0xcb: {  	[tilespmem:s22+$0x3300] =	vst v7  }
0xcc: {  	s30 =	sadd.s32 $0x1, s30;
	s19 =	sadd.s32 $0x40, s19;
	[tilespmem:s20+$0x17C40] =	vst v0  }
0xcd: {  	s19 =	simm.s32 $0x0;
	s1 =	rddreg [dreg:$0xd]  }
0xce: {  	[hbm4b:s1+s19] =	stream.linear.scatter [tilespmem:s8], [sflag:$0x5], $0x1000, $0x38;
	[tilespmem:$0x1BC40] =	vst v63  }
0xcf: {  	s22 =	rddreg [dreg:$0xe]  }
0xd0: {  	[hbm4b:s22+s19] =	stream.linear.scatter [tilespmem:s9], [sflag:$0x5], $0x1000, $0x38;
	[tilespmem:$0x1BC40] =	vst v63  }
0xd1: {  	s20 =	rddreg [dreg:$0xf]  }
0xd2: {  	[hbm4b:s20+s19] =	stream.linear.scatter [tilespmem:s10], [sflag:$0x5], $0x1000, $0x38;
	[tilespmem:$0x1BC40] =	vst v63  }
0xd3: {  	s21 =	rddreg [dreg:$0x10]  }
0xd4: {  	[hbm4b:s21+s19] =	stream.linear.scatter [tilespmem:s11], [sflag:$0x5], $0x1000, $0x38;
	[tilespmem:$0x1BC40] =	vst v63  }
0xd5: {  	_ =	swait.ge [sflag:s12], $0x8000  }
0xd6: {  	[sflag:s12] =	ssyncset.done $0x0  }
0xd7: {  	s22 =	simm.s32 $0x3C40;
	[sflag:s12] =	ssyncadd.s32 $0xFFFF8000  }
0xd8: {  	[hbm4b:s13+s14] =	stream.strided.scatter [tilespmem:s22], [sflag:$0x3], $0x8000, s15, s14, $0x38;
	[tilespmem:$0x1BC40] =	vst v63  }
0xd9: {  	_ =	swait.ge [sflag:s31], $0x1900  }
0xda: {  	[sflag:s31] =	ssyncset.done $0x0  }
0xdb: {  	[sflag:s31] =	ssyncadd.s32 $0xFFFFE700  }
0xdc: {  	_ =	swait.ge [sflag:s16], $0x1000  }
0xdd: {  	[sflag:s16] =	ssyncset.done $0x0  }
0xde: {  	[sflag:s16] =	ssyncadd.s32 $0xFFFFF000  }
0xdf: {  	_ =	swait.ge [sflag:s16], $0x1000  }
0xe0: {  	[sflag:s16] =	ssyncset.done $0x0  }
0xe1: {  	[sflag:s16] =	ssyncadd.s32 $0xFFFFF000  }
0xe2: {  	_ =	swait.ge [sflag:s16], $0x1000  }
0xe3: {  	[sflag:s16] =	ssyncset.done $0x0  }
0xe4: {  	[sflag:s16] =	ssyncadd.s32 $0xFFFFF000  }
0xe5: {  	_ =	swait.ge [sflag:s16], $0x1000  }
0xe6: {  	[sflag:s16] =	ssyncset.done $0x0  }
0xe7: {  	s30 =	simm.s32 $0x0;
	[sflag:s16] =	ssyncadd.s32 $0xFFFFF000  }
.LBB2_10:
0xe8: {  	s1 =	sshra.s32 s19, $0x2  }
0xe9: {  	v0 =	vld [tilespmem:s1+$0x200];
	_ =	sdelay $0x4  }
0xea: {  	v0 =	vmul.u32 $0x48, v0;
	_ =	sdelay $0x1  }
0xeb: {  	v1 =	vor.u32 $0x1, v0  }
0xec: {  	v2 =	vor.u32 $0x2, v0  }
0xed: {  	v3 =	vor.u32 $0x3, v0  }
0xee: {  	v4 =	vor.u32 $0x4, v0  }
0xef: {  	v6 =	vor.u32 $0x5, v0;
	v5 =	vld.idx.msk [tilespmem:v0+s17+$0x0], $0xffff  }
0xf0: {  	s20 =	sshrl.u32 s30, $0x3;
	v7 =	vor.u32 $0x6, v0;
	v1 =	vld.idx.msk [tilespmem:v1+s17+$0x0], $0xffff  }
0xf1: {  	s20 =	smul.u32 $0xE00, s20;
	v8 =	vor.u32 $0x7, v0;
	v2 =	vld.idx.msk [tilespmem:v2+s17+$0x0], $0xffff  }
0xf2: {  	v3 =	vld.idx.msk [tilespmem:v3+s17+$0x0], $0xffff  }
0xf3: {  	s21 =	sadd.s32 s19, s20;
	v4 =	vld.idx.msk [tilespmem:v4+s17+$0x0], $0xffff  }
0xf4: {  	s22 =	sshra.s32 s20, $0x2;
	s21 =	sadd.s32 $0xCE00, s21;
	v6 =	vld.idx.msk [tilespmem:v6+s17+$0x0], $0xffff  }
0xf5: {  	s1 =	sadd.s32 s22, s1;
	s20 =	sshra.s32 s21, $0x2;
	v7 =	vld.idx.msk [tilespmem:v7+s17+$0x0], $0xffff  }
0xf6: {  	s22 =	sadd.s32 $0x13C40, s1;
	v8 =	vld.idx.msk [tilespmem:v8+s17+$0x0], $0xffff;
	[tilespmem:s20+$0x108C0] =	vst v5  }
0xf7: {  	[tilespmem:s22+$0x80] =	vst v1  }
0xf8: {  	[tilespmem:s22+$0x100] =	vst v2  }
0xf9: {  	v41 =	vadd.s32 $0x8, v0;
	[tilespmem:s22+$0x180] =	vst v3  }
0xfa: {  	v42 =	vadd.s32 $0x9, v0;
	[tilespmem:s22+$0x200] =	vst v4  }
0xfb: {  	v43 =	vadd.s32 $0xA, v0;
	[tilespmem:s22+$0x280] =	vst v6  }
0xfc: {  	v44 =	vadd.s32 $0xB, v0;
	[tilespmem:s22+$0x300] =	vst v7  }
0xfd: {  	v45 =	vadd.s32 $0xC, v0;
	[tilespmem:s22+$0x380] =	vst v8  }
0xfe: {  	v46 =	vadd.s32 $0xD, v0;
	v1 =	vld.idx.msk [tilespmem:v41+s17+$0x0], $0xffff  }
0xff: {  	v47 =	vadd.s32 $0xE, v0;
	v2 =	vld.idx.msk [tilespmem:v42+s17+$0x0], $0xffff  }
0x100: {  	v48 =	vadd.s32 $0xF, v0;
	v3 =	vld.idx.msk [tilespmem:v43+s17+$0x0], $0xffff  }
0x101: {  	v4 =	vld.idx.msk [tilespmem:v44+s17+$0x0], $0xffff  }
0x102: {  	v5 =	vld.idx.msk [tilespmem:v45+s17+$0x0], $0xffff  }
0x103: {  	v6 =	vld.idx.msk [tilespmem:v46+s17+$0x0], $0xffff  }
0x104: {  	v7 =	vld.idx.msk [tilespmem:v47+s17+$0x0], $0xffff  }
0x105: {  	v8 =	vld.idx.msk [tilespmem:v48+s17+$0x0], $0xffff;
	[tilespmem:s22+$0x1000] =	vst v1  }
0x106: {  	[tilespmem:s22+$0x1080] =	vst v2  }
0x107: {  	[tilespmem:s22+$0x1100] =	vst v3  }
0x108: {  	v49 =	vadd.s32 $0x10, v0;
	[tilespmem:s22+$0x1180] =	vst v4  }
0x109: {  	v50 =	vadd.s32 $0x11, v0;
	[tilespmem:s22+$0x1200] =	vst v5  }
0x10a: {  	v51 =	vadd.s32 $0x12, v0;
	[tilespmem:s22+$0x1280] =	vst v6  }
0x10b: {  	v52 =	vadd.s32 $0x13, v0;
	[tilespmem:s22+$0x1300] =	vst v7  }
0x10c: {  	v53 =	vadd.s32 $0x14, v0;
	[tilespmem:s22+$0x1380] =	vst v8  }
0x10d: {  	v54 =	vadd.s32 $0x15, v0;
	v1 =	vld.idx.msk [tilespmem:v49+s17+$0x0], $0xffff  }
0x10e: {  	v55 =	vadd.s32 $0x16, v0;
	v2 =	vld.idx.msk [tilespmem:v50+s17+$0x0], $0xffff  }
0x10f: {  	v56 =	vadd.s32 $0x17, v0;
	v3 =	vld.idx.msk [tilespmem:v51+s17+$0x0], $0xffff  }
0x110: {  	v4 =	vld.idx.msk [tilespmem:v52+s17+$0x0], $0xffff  }
0x111: {  	v5 =	vld.idx.msk [tilespmem:v53+s17+$0x0], $0xffff  }
0x112: {  	v6 =	vld.idx.msk [tilespmem:v54+s17+$0x0], $0xffff  }
0x113: {  	v7 =	vld.idx.msk [tilespmem:v55+s17+$0x0], $0xffff  }
0x114: {  	v8 =	vld.idx.msk [tilespmem:v56+s17+$0x0], $0xffff;
	[tilespmem:s22+$0x2000] =	vst v1  }
0x115: {  	[tilespmem:s22+$0x2080] =	vst v2  }
0x116: {  	[tilespmem:s22+$0x2100] =	vst v3  }
0x117: {  	v57 =	vadd.s32 $0x18, v0;
	[tilespmem:s22+$0x2180] =	vst v4  }
0x118: {  	v58 =	vadd.s32 $0x19, v0;
	[tilespmem:s22+$0x2200] =	vst v5  }
0x119: {  	v59 =	vadd.s32 $0x1A, v0;
	[tilespmem:s22+$0x2280] =	vst v6  }
0x11a: {  	v60 =	vadd.s32 $0x1B, v0;
	[tilespmem:s22+$0x2300] =	vst v7  }
0x11b: {  	v61 =	vadd.s32 $0x1C, v0;
	[tilespmem:s22+$0x2380] =	vst v8  }
0x11c: {  	v62 =	vadd.s32 $0x1D, v0;
	v1 =	vld.idx.msk [tilespmem:v57+s17+$0x0], $0xffff  }
0x11d: {  	v63 =	vadd.s32 $0x1E, v0;
	v2 =	vld.idx.msk [tilespmem:v58+s17+$0x0], $0xffff  }
0x11e: {  	v0 =	vadd.s32 $0x1F, v0;
	v3 =	vld.idx.msk [tilespmem:v59+s17+$0x0], $0xffff  }
0x11f: {  	v4 =	vld.idx.msk [tilespmem:v60+s17+$0x0], $0xffff  }
0x120: {  	v5 =	vld.idx.msk [tilespmem:v61+s17+$0x0], $0xffff  }
0x121: {  	v6 =	vld.idx.msk [tilespmem:v62+s17+$0x0], $0xffff  }
0x122: {  	v7 =	vld.idx.msk [tilespmem:v63+s17+$0x0], $0xffff  }
0x123: {  	v0 =	vld.idx.msk [tilespmem:v0+s17+$0x0], $0xffff;
	[tilespmem:s22+$0x3000] =	vst v1  }
0x124: {  	[tilespmem:s22+$0x3080] =	vst v2  }
0x125: {  	p0 =	sne.s32 s19, $0x7C0;
	[tilespmem:s22+$0x3100] =	vst v3  }
.Ltmp4:
0x126: {  	[tilespmem:s22+$0x3180] =	vst v4;
	(pc) =	sbr.rel @p0 .LBB2_10-.Ltmp4, $4  }
0x127: {  	[tilespmem:s22+$0x3200] =	vst v5  }
0x128: {  	[tilespmem:s22+$0x3280] =	vst v6  }
0x129: {  	[tilespmem:s22+$0x3300] =	vst v7  }
0x12a: {  	s30 =	sadd.s32 $0x1, s30;
	s19 =	sadd.s32 $0x40, s19;
	[tilespmem:s20+$0x13C40] =	vst v0  }
0x12b: {  	s19 =	simm.s32 $0x0;
	s1 =	rddreg [dreg:$0x11];
	s20 =	simm.s32 $0x13C40  }
0x12c: {  	[hbm4b:s1+s19] =	stream.linear.scatter [tilespmem:s20], [sflag:$0x5], $0x1000, $0x38;
	[tilespmem:$0x1BC40] =	vst v63  }
0x12d: {  	s20 =	rddreg [dreg:$0x12]  }
0x12e: {  	[hbm4b:s20+s19] =	stream.linear.scatter [tilespmem:s5], [sflag:$0x5], $0x1000, $0x38;
	[tilespmem:$0x1BC40] =	vst v63  }
0x12f: {  	s21 =	rddreg [dreg:$0x13]  }
0x130: {  	[hbm4b:s21+s19] =	stream.linear.scatter [tilespmem:s6], [sflag:$0x5], $0x1000, $0x38;
	[tilespmem:$0x1BC40] =	vst v63  }
0x131: {  	s22 =	rddreg [dreg:$0x14]  }
0x132: {  	[hbm4b:s22+s19] =	stream.linear.scatter [tilespmem:s7], [sflag:$0x5], $0x1000, $0x38;
	[tilespmem:$0x1BC40] =	vst v63  }
0x133: {  	_ =	swait.ge [sflag:s16], $0x1000  }
0x134: {  	[sflag:s16] =	ssyncset.done $0x0  }
0x135: {  	[sflag:s16] =	ssyncadd.s32 $0xFFFFF000  }
0x136: {  	_ =	swait.ge [sflag:s16], $0x1000  }
0x137: {  	[sflag:s16] =	ssyncset.done $0x0  }
0x138: {  	[sflag:s16] =	ssyncadd.s32 $0xFFFFF000  }
0x139: {  	_ =	swait.ge [sflag:s16], $0x1000  }
0x13a: {  	[sflag:s16] =	ssyncset.done $0x0  }
0x13b: {  	[sflag:s16] =	ssyncadd.s32 $0xFFFFF000  }
0x13c: {  	_ =	swait.ge [sflag:s16], $0x1000  }
0x13d: {  	[sflag:s16] =	ssyncset.done $0x0  }
0x13e: {  	s30 =	simm.s32 $0x0;
	[sflag:s16] =	ssyncadd.s32 $0xFFFFF000  }
.LBB2_12:
0x13f: {  	s1 =	sshra.s32 s19, $0x2  }
0x140: {  	v0 =	vld [tilespmem:s1+$0x200];
	_ =	sdelay $0x4  }
0x141: {  	v0 =	vmul.u32 $0x48, v0;
	_ =	sdelay $0x1  }
0x142: {  	v1 =	vadd.s32 $0x20, v0  }
0x143: {  	v2 =	vadd.s32 $0x21, v0  }
0x144: {  	v3 =	vadd.s32 $0x22, v0  }
0x145: {  	v4 =	vadd.s32 $0x23, v0  }
0x146: {  	v5 =	vadd.s32 $0x24, v0  }
0x147: {  	v6 =	vadd.s32 $0x25, v0;
	v1 =	vld.idx.msk [tilespmem:v1+s17+$0x0], $0xffff  }
0x148: {  	s20 =	sshrl.u32 s30, $0x3;
	v7 =	vadd.s32 $0x26, v0;
	v2 =	vld.idx.msk [tilespmem:v2+s17+$0x0], $0xffff  }
0x149: {  	s20 =	smul.u32 $0xE00, s20;
	v8 =	vadd.s32 $0x27, v0;
	v3 =	vld.idx.msk [tilespmem:v3+s17+$0x0], $0xffff  }
0x14a: {  	v4 =	vld.idx.msk [tilespmem:v4+s17+$0x0], $0xffff  }
0x14b: {  	s21 =	sadd.s32 s19, s20;
	v5 =	vld.idx.msk [tilespmem:v5+s17+$0x0], $0xffff  }
0x14c: {  	s22 =	sshra.s32 s20, $0x2;
	s21 =	sadd.s32 $0xCE00, s21;
	v6 =	vld.idx.msk [tilespmem:v6+s17+$0x0], $0xffff  }
0x14d: {  	s1 =	sadd.s32 s22, s1;
	s20 =	sshra.s32 s21, $0x2;
	v7 =	vld.idx.msk [tilespmem:v7+s17+$0x0], $0xffff  }
0x14e: {  	s22 =	sadd.s32 $0x17C40, s1;
	v8 =	vld.idx.msk [tilespmem:v8+s17+$0x0], $0xffff;
	[tilespmem:s20+$0x148C0] =	vst v1  }
0x14f: {  	[tilespmem:s22+$0x80] =	vst v2  }
0x150: {  	[tilespmem:s22+$0x100] =	vst v3  }
0x151: {  	v41 =	vadd.s32 $0x28, v0;
	[tilespmem:s22+$0x180] =	vst v4  }
0x152: {  	v42 =	vadd.s32 $0x29, v0;
	[tilespmem:s22+$0x200] =	vst v5  }
0x153: {  	v43 =	vadd.s32 $0x2A, v0;
	[tilespmem:s22+$0x280] =	vst v6  }
0x154: {  	v44 =	vadd.s32 $0x2B, v0;
	[tilespmem:s22+$0x300] =	vst v7  }
0x155: {  	v45 =	vadd.s32 $0x2C, v0;
	[tilespmem:s22+$0x380] =	vst v8  }
0x156: {  	v46 =	vadd.s32 $0x2D, v0;
	v1 =	vld.idx.msk [tilespmem:v41+s17+$0x0], $0xffff  }
0x157: {  	v47 =	vadd.s32 $0x2E, v0;
	v2 =	vld.idx.msk [tilespmem:v42+s17+$0x0], $0xffff  }
0x158: {  	v48 =	vadd.s32 $0x2F, v0;
	v3 =	vld.idx.msk [tilespmem:v43+s17+$0x0], $0xffff  }
0x159: {  	v4 =	vld.idx.msk [tilespmem:v44+s17+$0x0], $0xffff  }
0x15a: {  	v5 =	vld.idx.msk [tilespmem:v45+s17+$0x0], $0xffff  }
0x15b: {  	v6 =	vld.idx.msk [tilespmem:v46+s17+$0x0], $0xffff  }
0x15c: {  	v7 =	vld.idx.msk [tilespmem:v47+s17+$0x0], $0xffff  }
0x15d: {  	v8 =	vld.idx.msk [tilespmem:v48+s17+$0x0], $0xffff;
	[tilespmem:s22+$0x1000] =	vst v1  }
0x15e: {  	[tilespmem:s22+$0x1080] =	vst v2  }
0x15f: {  	[tilespmem:s22+$0x1100] =	vst v3  }
0x160: {  	v49 =	vadd.s32 $0x30, v0;
	[tilespmem:s22+$0x1180] =	vst v4  }
0x161: {  	v50 =	vadd.s32 $0x31, v0;
	[tilespmem:s22+$0x1200] =	vst v5  }
0x162: {  	v51 =	vadd.s32 $0x32, v0;
	[tilespmem:s22+$0x1280] =	vst v6  }
0x163: {  	v52 =	vadd.s32 $0x33, v0;
	[tilespmem:s22+$0x1300] =	vst v7  }
0x164: {  	v53 =	vadd.s32 $0x34, v0;
	[tilespmem:s22+$0x1380] =	vst v8  }
0x165: {  	v54 =	vadd.s32 $0x35, v0;
	v1 =	vld.idx.msk [tilespmem:v49+s17+$0x0], $0xffff  }
0x166: {  	v55 =	vadd.s32 $0x36, v0;
	v2 =	vld.idx.msk [tilespmem:v50+s17+$0x0], $0xffff  }
0x167: {  	v56 =	vadd.s32 $0x37, v0;
	v3 =	vld.idx.msk [tilespmem:v51+s17+$0x0], $0xffff  }
0x168: {  	v4 =	vld.idx.msk [tilespmem:v52+s17+$0x0], $0xffff  }
0x169: {  	v5 =	vld.idx.msk [tilespmem:v53+s17+$0x0], $0xffff  }
0x16a: {  	v6 =	vld.idx.msk [tilespmem:v54+s17+$0x0], $0xffff  }
0x16b: {  	v7 =	vld.idx.msk [tilespmem:v55+s17+$0x0], $0xffff  }
0x16c: {  	v8 =	vld.idx.msk [tilespmem:v56+s17+$0x0], $0xffff;
	[tilespmem:s22+$0x2000] =	vst v1  }
0x16d: {  	[tilespmem:s22+$0x2080] =	vst v2  }
0x16e: {  	[tilespmem:s22+$0x2100] =	vst v3  }
0x16f: {  	v57 =	vadd.s32 $0x38, v0;
	[tilespmem:s22+$0x2180] =	vst v4  }
0x170: {  	v58 =	vadd.s32 $0x39, v0;
	[tilespmem:s22+$0x2200] =	vst v5  }
0x171: {  	v59 =	vadd.s32 $0x3A, v0;
	[tilespmem:s22+$0x2280] =	vst v6  }
0x172: {  	v60 =	vadd.s32 $0x3B, v0;
	[tilespmem:s22+$0x2300] =	vst v7  }
0x173: {  	v61 =	vadd.s32 $0x3C, v0;
	[tilespmem:s22+$0x2380] =	vst v8  }
0x174: {  	v62 =	vadd.s32 $0x3D, v0;
	v1 =	vld.idx.msk [tilespmem:v57+s17+$0x0], $0xffff  }
0x175: {  	v63 =	vadd.s32 $0x3E, v0;
	v2 =	vld.idx.msk [tilespmem:v58+s17+$0x0], $0xffff  }
0x176: {  	v0 =	vadd.s32 $0x3F, v0;
	v3 =	vld.idx.msk [tilespmem:v59+s17+$0x0], $0xffff  }
0x177: {  	v4 =	vld.idx.msk [tilespmem:v60+s17+$0x0], $0xffff  }
0x178: {  	v5 =	vld.idx.msk [tilespmem:v61+s17+$0x0], $0xffff  }
0x179: {  	v6 =	vld.idx.msk [tilespmem:v62+s17+$0x0], $0xffff  }
0x17a: {  	v7 =	vld.idx.msk [tilespmem:v63+s17+$0x0], $0xffff  }
0x17b: {  	v0 =	vld.idx.msk [tilespmem:v0+s17+$0x0], $0xffff;
	[tilespmem:s22+$0x3000] =	vst v1  }
0x17c: {  	[tilespmem:s22+$0x3080] =	vst v2  }
0x17d: {  	p0 =	sne.s32 s19, $0x7C0;
	[tilespmem:s22+$0x3100] =	vst v3  }
.Ltmp5:
0x17e: {  	[tilespmem:s22+$0x3180] =	vst v4;
	(pc) =	sbr.rel @p0 .LBB2_12-.Ltmp5, $4  }
0x17f: {  	[tilespmem:s22+$0x3200] =	vst v5  }
0x180: {  	[tilespmem:s22+$0x3280] =	vst v6  }
0x181: {  	[tilespmem:s22+$0x3300] =	vst v7  }
0x182: {  	s30 =	sadd.s32 $0x1, s30;
	s19 =	sadd.s32 $0x40, s19;
	[tilespmem:s20+$0x17C40] =	vst v0  }
0x183: {  	s1 =	rddreg [dreg:$0x15]  }
0x184: {  	[hbm4b:s1+s2] =	stream.linear.scatter [tilespmem:s8], [sflag:$0x5], $0x1000, $0x38;
	[tilespmem:$0x1BC40] =	vst v63  }
0x185: {  	s22 =	rddreg [dreg:$0x16]  }
0x186: {  	[hbm4b:s22+s2] =	stream.linear.scatter [tilespmem:s9], [sflag:$0x5], $0x1000, $0x38;
	[tilespmem:$0x1BC40] =	vst v63  }
0x187: {  	s30 =	rddreg [dreg:$0x17]  }
0x188: {  	[hbm4b:s30+s2] =	stream.linear.scatter [tilespmem:s10], [sflag:$0x5], $0x1000, $0x38;
	[tilespmem:$0x1BC40] =	vst v63  }
0x189: {  	_ = 	snop  }
0x18a: {  	[hbm4b:s23+s2] =	stream.linear.scatter [tilespmem:s11], [sflag:$0x5], $0x1000, $0x38;
	[tilespmem:$0x1BC40] =	vst v63  }
0x18b: {  	_ =	swait.ge [sflag:s18], $0x8000  }
0x18c: {  	[sflag:s18] =	ssyncset.done $0x0  }
0x18d: {  	s22 =	simm.s32 $0xBC40;
	[sflag:s18] =	ssyncadd.s32 $0xFFFF8000  }
0x18e: {  	[hbm4b:s24+s14] =	stream.strided.scatter [tilespmem:s22], [sflag:$0x4], $0x8000, s15, s14, $0x38;
	[tilespmem:$0x1BC40] =	vst v63  }
0x18f: {  	_ =	swait.ge [sflag:s12], $0x8000  }
0x190: {  	[sflag:s12] =	ssyncset.done $0x0  }
0x191: {  	[sflag:s12] =	ssyncadd.s32 $0xFFFF8000  }
0x192: {  	_ =	swait.ge [sflag:s18], $0x8000  }
0x193: {  	[sflag:s18] =	ssyncset.done $0x0  }
0x194: {  	[sflag:s18] =	ssyncadd.s32 $0xFFFF8000  }
0x195: {  	_ =	swait.ge [sflag:s16], $0x1000  }
0x196: {  	[sflag:s16] =	ssyncset.done $0x0  }
0x197: {  	[sflag:s16] =	ssyncadd.s32 $0xFFFFF000  }
0x198: {  	_ =	swait.ge [sflag:s16], $0x1000  }
0x199: {  	[sflag:s16] =	ssyncset.done $0x0  }
0x19a: {  	[sflag:s16] =	ssyncadd.s32 $0xFFFFF000  }
0x19b: {  	_ =	swait.ge [sflag:s16], $0x1000  }
0x19c: {  	[sflag:s16] =	ssyncset.done $0x0  }
0x19d: {  	[sflag:s16] =	ssyncadd.s32 $0xFFFFF000  }
0x19e: {  	_ =	swait.ge [sflag:s16], $0x1000  }
0x19f: {  	[sflag:s16] =	ssyncset.done $0x0  }
0x1a0: {  	[sflag:s16] =	ssyncadd.s32 $0xFFFFF000  }
0x1a1: {  	_ =	swait.ge [sflag:s16], $0x1000  }
0x1a2: {  	[sflag:s16] =	ssyncset.done $0x0  }
0x1a3: {  	[sflag:s16] =	ssyncadd.s32 $0xFFFFF000  }
0x1a4: {  	_ =	swait.ge [sflag:s16], $0x1000  }
0x1a5: {  	[sflag:s16] =	ssyncset.done $0x0  }
0x1a6: {  	s29 =	sadd.s32 $0x1, s29;
	[sflag:s16] =	ssyncadd.s32 $0xFFFFF000  }
0x1a7: {  	p0 =	sne.s32 s29, s25;
	_ =	swait.ge [sflag:s16], $0x1000  }
.Ltmp6:
0x1a8: {  	[sflag:s16] =	ssyncset.done $0x0;
	(pc) =	sbr.rel @p0 .LBB2_1-.Ltmp6, $4  }
0x1a9: {  	[sflag:s16] =	ssyncadd.s32 $0xFFFFF000  }
0x1aa: {  	_ =	swait.ge [sflag:s16], $0x1000  }
0x1ab: {  	[sflag:s16] =	ssyncset.done $0x0  }
0x1ac: {  	[sflag:s16] =	ssyncadd.s32 $0xFFFFF000  }
0x1ad: {  	_ =	sfence.sel $0x180000  }
0x1ae: {  	[bflag:$0x0] =	sbarrier.arrive $0xFFFF  }
0x1af: {  	_ =	strace $0x90000047  }
0x1b0: {  	s0 =	stileid.u32;
	[bflag:$0x2] =	sbarrier.arrive $0xFFFF  }
0x1b1: {  	p0 =	sne.s32 s0, $0x0;
	s0 =	rddreg [dreg:$0x6]  }
0x1b2: {  	s0 =	sadd.s32 @!p0 $0x100000, s0  }
0x1b3: {  	[sflag:s0] =	ssyncadd.tile.s32 @!p0 $0x1;
	_ =	shalt  }
.Lfunc_end2:
_tile_overlayer_lowered:
.L_overlay_start_2:
0x1b4: {  	(tag) =	ssettag $0x2  }
0x1b5: {  	s0 =	rddreg [dreg:$0x0];
	s2 =	stileid.u32  }
0x1b6: {  	s1 =	rddreg [dreg:$0x1];
	p0 =	sne.s32 s2, $0x0  }
0x1b7: {  	s3 =	rddreg [dreg:$0x2];
	[bflag:$0x3] =	sbarrier.arrive $0xFFFF;
	s2 =	simm.s32 @!p0 $0x1C06  }
0x1b8: {  	[timem:s3], [sflag:s2] =	dma.local @!p0 [hbm:s0], s1  }
0x1b9: {  	s0 =	simm.s32 @!p0 $0x6  }
0x1ba: {  	_ =	swait.ge @!p0 [sflag:s0], s1  }
0x1bb: {  	s1 =	ssub.s32 @!p0 $0x0, s1;
	[sflag:s0] =	ssyncset.done @!p0 $0x0  }
0x1bc: {  	[sflag:s0] =	ssyncadd.s32 @!p0 s1  }
0x1bd: {  	[bflag:$0x3] =	sbarrier.arrive $0xFFFF  }
0x1be: {  	_ =	shalt  }

</sc_bundles>
